<compile_context>
chip_gen: v7x
topology: tpu7x:2x2x1
jax: 0.10.2.dev20260603
libtpu: 0.0.44.dev20260713+nightly
codegen_flags: <defaults>
</compile_context>

<pallas_src>
import functools

import jax
import jax.numpy as jnp
from jax import lax
from jax.experimental import pallas as pl
from jax.experimental.pallas import tpu as pltpu
from jax.experimental.pallas import tpu_sc as plsc

_NUM_CORES = 2
_NUM_SUBCORES = 16
_NUM_WORKERS = _NUM_CORES * _NUM_SUBCORES


def _make_sc_gather(V, E, B):
    assert B % _NUM_WORKERS == 0
    b_per_w = B // _NUM_WORKERS
    chunk = 128
    assert b_per_w % chunk == 0
    n_chunks = b_per_w // chunk
    nbuf = 4
    assert n_chunks >= nbuf

    mesh = plsc.VectorSubcoreMesh(core_axis_name="c", subcore_axis_name="s")

    quarter = b_per_w // 4

    @functools.partial(
        pl.kernel,
        mesh=mesh,
        compiler_params=pltpu.CompilerParams(
            use_tc_tiling_on_sc=False, needs_layout_passes=False
        ),
        out_type=jax.ShapeDtypeStruct((B, E), jnp.float32),
        scratch_types=[
            pltpu.VMEM((b_per_w,), jnp.int32),
            pltpu.VMEM((4, quarter), jnp.int32),
            pltpu.VMEM((nbuf, chunk, E), jnp.float32),
            [pltpu.SemaphoreType.DMA] * nbuf,
            [pltpu.SemaphoreType.DMA] * nbuf,
        ],
    )
    def gather_kernel(
        table_hbm, idx_hbm, out_hbm, idx_v, idx_raw, rows_v, gsems, ssems
    ):
        wid = lax.axis_index("s") * _NUM_CORES + lax.axis_index("c")
        base = wid * b_per_w
        blk_base = (base // (8 * quarter)) * (8 * quarter)
        i0 = (base - blk_base) // 4
        for p in range(4):
            off = pl.multiple_of(blk_base + 2 * quarter * p + i0, 8)
            pltpu.sync_copy(
                idx_hbm.at[pl.ds(off, quarter)],
                idx_raw.at[p],
            )
        lanes = lax.broadcasted_iota(jnp.int32, (16,), 0)
        for p in range(4):
            for k in range(quarter // 16):
                vals = idx_raw[p, pl.ds(16 * k, 16)]
                tgt = (lanes + 16 * k) * 4 + p
                plsc.store_scatter(idx_v, [tgt], vals)

        def start_gather(c, buf):
            return pltpu.async_copy(
                table_hbm.at[idx_v.at[pl.ds(c * chunk, chunk)]],
                rows_v.at[buf],
                gsems[buf],
            )

        def start_scatter(c, buf):
            return pltpu.async_copy(
                rows_v.at[buf],
                out_hbm.at[pl.ds(base + c * chunk, chunk)],
                ssems[buf],
            )

        gathers = [start_gather(c, c) for c in range(nbuf)]
        scatters = [None] * n_chunks
        for c in range(n_chunks):
            b = c % nbuf
            gathers[b].wait()
            scatters[c] = start_scatter(c, b)
            if c + nbuf < n_chunks:
                scatters[c].wait()
                gathers[b] = start_gather(c + nbuf, b)
        for c in range(n_chunks - nbuf, n_chunks):
            scatters[c].wait()

    return gather_kernel


def _head_body(emb_ref, wt_ref, b_ref, out_ref):
    g, _ = emb_ref.shape
    wt = wt_ref[...]
    bias = b_ref[...]
    for p in range(4):
        vp = emb_ref[:, 32 * p:32 * (p + 1)].astype(jnp.bfloat16)
        out = lax.dot_general(
            wt, vp, (((1,), (1,)), ((), ())),
            preferred_element_type=jnp.float32,
        ) + bias
        out_ref[0, :, g * p:g * (p + 1)] = out


def _make_head(T, Bd, E, D, bn):
    assert Bd % bn == 0 and bn % 4 == 0
    nj = Bd // bn
    gb = bn // 4
    return pl.pallas_call(
        _head_body,
        grid=(T, nj),
        in_specs=[
            pl.BlockSpec((gb, 4 * E), lambda t, j: (t * nj + j, 0)),
            pl.BlockSpec((D, E), lambda t, j: (0, 0)),
            pl.BlockSpec((D, 1), lambda t, j: (0, 0)),
        ],
        out_specs=pl.BlockSpec((1, D, bn), lambda t, j: (t, 0, j)),
        out_shape=jax.ShapeDtypeStruct((T, D, Bd), jnp.float32),
    )


def kernel(idx, tok_table, pos_table, W, b):
    del pos_table
    V, E = tok_table.shape
    D = W.shape[1]
    Bdim, T = idx.shape
    B = Bdim * T
    bn = 2048
    nj = Bdim // bn

    wt_bf = W.T.astype(jnp.bfloat16)
    flat_idx = idx.T.reshape(B).astype(jnp.int32)
    emb = _make_sc_gather(V, E, B)(tok_table, flat_idx)
    emb_p = emb.reshape(B // 4, 4 * E)
    out_t = _make_head(T, Bdim, E, D, bn)(emb_p, wt_bf, b.reshape(D, 1))
    return jnp.transpose(out_t, (2, 0, 1))

# --- scband reference (transcript-rebuilt; emitter-appended) ---
"""Pipeline reference for scband-bigram-language-model-64613488001518 (READ-ONLY COPY).

The authoritative reference and input builder live on the scoring server;
editing this copy changes nothing except your own understanding.
"""

import jax, jax.numpy as jnp
import numpy as np

VOCAB = 1000
N_EMBD = 32
BLOCK = 8
BATCH = 4096
T = 8


def setup_inputs(seed: int = 0) -> dict:
    key = jax.random.key(seed)
    k1, k2, k3, k4 = jax.random.split(key, 4)
    idx = jax.random.randint(k1, (BATCH, T), 0, VOCAB, dtype=jnp.int64 if jax.config.jax_enable_x64 else jnp.int32)
    tok_table = jax.random.normal(k2, (VOCAB, N_EMBD), dtype=jnp.float32) * 0.02
    pos_table = jax.random.normal(k3, (BLOCK, N_EMBD), dtype=jnp.float32) * 0.02
    W = jax.random.normal(k4, (N_EMBD, VOCAB), dtype=jnp.float32) * (1.0 / np.sqrt(N_EMBD))
    b = jnp.zeros((VOCAB,), dtype=jnp.float32)
    return {"idx": idx, "tok_table": tok_table, "pos_table": pos_table, "W": W, "b": b}


def reference(idx, tok_table, pos_table, W, b):
    # token embedding lookup (gather)
    tok_emb = jnp.take(tok_table, idx, axis=0)  # [B, T, n_embd]
    # position embedding lookup -- computed in the original forward but never
    # added to tok_emb (the source only computes pos_emb and discards it)
    Tlen = idx.shape[1]
    pos_emb = jnp.take(pos_table, jnp.arange(Tlen), axis=0)  # [T, n_embd] (unused, faithful)
    _ = pos_emb
    # lm head
    logits = tok_emb @ W + b  # [B, T, vocab]
    B, Tdim, C = logits.shape
    logits = logits.reshape(B * Tdim, C)
    # targets is None -> loss is None; reshape back
    logits = logits.reshape(B, Tdim, C)
    return logits

if __name__ == "__main__":
    import jax
    _d = setup_inputs()
    print(jax.jit(kernel)(*tuple(_d.values())))

</pallas_src>

<mosaic_0001>
#map = affine_map<(d0, d1) -> (0, 0)>
#map1 = affine_map<(d0, d1) -> (0)>
module attributes {stable_mosaic.version = 14 : i64} {
  func.func @gather_kernel(%arg0: i32, %arg1: i32, %arg2: memref<1000x32xf32, #tpu.memory_space<hbm>>, %arg3: memref<32768xi32, #tpu.memory_space<hbm>>, %arg4: memref<32768x32xf32, #tpu.memory_space<hbm>>, %arg5: memref<1024xi32, #tpu.memory_space<vmem>>, %arg6: memref<4x256xi32, #tpu.memory_space<vmem>>, %arg7: memref<4x128x32xf32, #tpu.memory_space<vmem>>, %arg8: memref<!tpu.dma_semaphore, #tpu.memory_space<semaphore_mem>>, %arg9: memref<!tpu.dma_semaphore, #tpu.memory_space<semaphore_mem>>, %arg10: memref<!tpu.dma_semaphore, #tpu.memory_space<semaphore_mem>>, %arg11: memref<!tpu.dma_semaphore, #tpu.memory_space<semaphore_mem>>, %arg12: memref<!tpu.dma_semaphore, #tpu.memory_space<semaphore_mem>>, %arg13: memref<!tpu.dma_semaphore, #tpu.memory_space<semaphore_mem>>, %arg14: memref<!tpu.dma_semaphore, #tpu.memory_space<semaphore_mem>>, %arg15: memref<!tpu.dma_semaphore, #tpu.memory_space<semaphore_mem>>) attributes {dimension_semantics = [#tpu.dimension_semantics<core_parallel>, #tpu.dimension_semantics<subcore_parallel>], iteration_bounds = array<i64: 2, 16>, scalar_prefetch = 0 : i64, scratch_operands = 11 : i64, tpu.core_type = #tpu.core_type<sc_vector_subcore>, window_params = [{transform_indices = #map}, {transform_indices = #map1}, {transform_indices = #map}]} {
    %mul3A = arith.constant 2 : i32
    %mul3A_0 = arith.muli %arg1, %mul3A : i32
    %add3A = arith.addi %mul3A_0, %arg0 : i32
    %mul3A_1 = arith.constant 1024 : i32
    %mul3A_2 = arith.muli %add3A, %mul3A_1 : i32
    %jit3A = arith.constant 2048 : i32
    %div3A = arith.divsi %mul3A_2, %jit3A : i32
    %sign3A = arith.constant 0 : i32
    %sign3A_3 = arith.cmpi sgt, %mul3A_2, %sign3A : i32
    %sign3A_4 = arith.extui %sign3A_3 : i1 to i32
    %sign3A_5 = arith.constant 0 : i32
    %sign3A_6 = arith.cmpi slt, %mul3A_2, %sign3A_5 : i32
    %sign3A_7 = arith.extui %sign3A_6 : i1 to i32
    %sign3A_8 = arith.subi %sign3A_4, %sign3A_7 : i32
    %sign3A_9 = arith.constant 0 : i32
    %sign3A_10 = arith.cmpi sgt, %jit3A, %sign3A_9 : i32
    %sign3A_11 = arith.extui %sign3A_10 : i1 to i32
    %sign3A_12 = arith.constant 0 : i32
    %sign3A_13 = arith.cmpi slt, %jit3A, %sign3A_12 : i32
    %sign3A_14 = arith.extui %sign3A_13 : i1 to i32
    %sign3A_15 = arith.subi %sign3A_11, %sign3A_14 : i32
    %ne3A = arith.cmpi ne, %sign3A_8, %sign3A_15 : i32
    %rem3A = arith.remsi %mul3A_2, %jit3A : i32
    %ne3A_16 = arith.constant 0 : i32
    %ne3A_17 = arith.cmpi ne, %rem3A, %ne3A_16 : i32
    %and3A = arith.andi %ne3A, %ne3A_17 : i1
    %sub3A = arith.constant 1 : i32
    %sub3A_18 = arith.subi %div3A, %sub3A : i32
    %select_n3A = arith.select %and3A, %sub3A_18, %div3A : i32
    %mul3A_19 = arith.constant 2048 : i32
    %mul3A_20 = arith.muli %select_n3A, %mul3A_19 : i32
    %sub3A_21 = arith.subi %mul3A_2, %mul3A_20 : i32
    %jit3A_22 = arith.constant 4 : i32
    %div3A_23 = arith.divsi %sub3A_21, %jit3A_22 : i32
    %sign3A_24 = arith.constant 0 : i32
    %sign3A_25 = arith.cmpi sgt, %sub3A_21, %sign3A_24 : i32
    %sign3A_26 = arith.extui %sign3A_25 : i1 to i32
    %sign3A_27 = arith.constant 0 : i32
    %sign3A_28 = arith.cmpi slt, %sub3A_21, %sign3A_27 : i32
    %sign3A_29 = arith.extui %sign3A_28 : i1 to i32
    %sign3A_30 = arith.subi %sign3A_26, %sign3A_29 : i32
    %sign3A_31 = arith.constant 0 : i32
    %sign3A_32 = arith.cmpi sgt, %jit3A_22, %sign3A_31 : i32
    %sign3A_33 = arith.extui %sign3A_32 : i1 to i32
    %sign3A_34 = arith.constant 0 : i32
    %sign3A_35 = arith.cmpi slt, %jit3A_22, %sign3A_34 : i32
    %sign3A_36 = arith.extui %sign3A_35 : i1 to i32
    %sign3A_37 = arith.subi %sign3A_33, %sign3A_36 : i32
    %ne3A_38 = arith.cmpi ne, %sign3A_30, %sign3A_37 : i32
    %rem3A_39 = arith.remsi %sub3A_21, %jit3A_22 : i32
    %ne3A_40 = arith.constant 0 : i32
    %ne3A_41 = arith.cmpi ne, %rem3A_39, %ne3A_40 : i32
    %and3A_42 = arith.andi %ne3A_38, %ne3A_41 : i1
    %sub3A_43 = arith.constant 1 : i32
    %sub3A_44 = arith.subi %div3A_23, %sub3A_43 : i32
    %select_n3A_45 = arith.select %and3A_42, %sub3A_44, %div3A_23 : i32
    %add3A_46 = arith.constant 0 : i32
    %add3A_47 = arith.addi %mul3A_20, %add3A_46 : i32
    %add3A_48 = arith.addi %add3A_47, %select_n3A_45 : i32
    %multiple_of3A = tpu.assume_multiple %add3A_48, 8 : i32
    %run_scoped3A = arith.constant 0 : i32
    "tpu.region"() ({
      %run_scoped3A_1277 = tpu.sem_alloc : memref<!tpu.dma_semaphore, #tpu.memory_space<semaphore_mem>>
      %dma_start3A_1278 = arith.constant 0 : i32
      %dma_start3A_1279 = tpu.memref_slice %arg6[%run_scoped3A, %dma_start3A_1278] : memref<4x256xi32, #tpu.memory_space<vmem>> -> memref<1x256xi32, #tpu.memory_space<vmem>>
      %dma_start3A_1280 = tpu.memref_squeeze %dma_start3A_1279 : memref<1x256xi32, #tpu.memory_space<vmem>> -> memref<256xi32, #tpu.memory_space<vmem>>
      %dma_start3A_1281 = tpu.memref_slice %arg3[%multiple_of3A] : memref<32768xi32, #tpu.memory_space<hbm>> -> memref<256xi32, #tpu.memory_space<hbm>>
      %dma_start3A_1282 = arith.constant 0 : i32
      %dma_start3A_1283 = tpu.memref_slice %arg6[%run_scoped3A, %dma_start3A_1282] : memref<4x256xi32, #tpu.memory_space<vmem>> -> memref<1x256xi32, #tpu.memory_space<vmem>>
      %dma_start3A_1284 = tpu.memref_squeeze %dma_start3A_1283 : memref<1x256xi32, #tpu.memory_space<vmem>> -> memref<256xi32, #tpu.memory_space<vmem>>
      %dma_start3A_1285 = tpu.memref_slice %arg3[%multiple_of3A] : memref<32768xi32, #tpu.memory_space<hbm>> -> memref<256xi32, #tpu.memory_space<hbm>>
      tpu.enqueue_dma source(%dma_start3A_1285 : memref<256xi32, #tpu.memory_space<hbm>>) target(%dma_start3A_1284 : memref<256xi32, #tpu.memory_space<vmem>>) target_semaphore(%run_scoped3A_1277 : memref<!tpu.dma_semaphore, #tpu.memory_space<semaphore_mem>>)
      %dma_wait3A_1286 = arith.constant 0 : i32
      %dma_wait3A_1287 = tpu.memref_slice %arg6[%run_scoped3A, %dma_wait3A_1286] : memref<4x256xi32, #tpu.memory_space<vmem>> -> memref<1x256xi32, #tpu.memory_space<vmem>>
      %dma_wait3A_1288 = tpu.memref_squeeze %dma_wait3A_1287 : memref<1x256xi32, #tpu.memory_space<vmem>> -> memref<256xi32, #tpu.memory_space<vmem>>
      %dma_wait3A_1289 = tpu.memref_slice %arg3[%multiple_of3A] : memref<32768xi32, #tpu.memory_space<hbm>> -> memref<256xi32, #tpu.memory_space<hbm>>
      %dma_wait3A_1290 = arith.constant 0 : i32
      %dma_wait3A_1291 = tpu.memref_slice %arg6[%run_scoped3A, %dma_wait3A_1290] : memref<4x256xi32, #tpu.memory_space<vmem>> -> memref<1x256xi32, #tpu.memory_space<vmem>>
      %dma_wait3A_1292 = tpu.memref_squeeze %dma_wait3A_1291 : memref<1x256xi32, #tpu.memory_space<vmem>> -> memref<256xi32, #tpu.memory_space<vmem>>
      %dma_wait3A_1293 = tpu.memref_slice %arg3[%multiple_of3A] : memref<32768xi32, #tpu.memory_space<hbm>> -> memref<256xi32, #tpu.memory_space<hbm>>
      tpu.wait_dma2 semaphore(%run_scoped3A_1277 : memref<!tpu.dma_semaphore, #tpu.memory_space<semaphore_mem>>) src(%dma_wait3A_1293 : memref<256xi32, #tpu.memory_space<hbm>>) dst(%dma_wait3A_1292 : memref<256xi32, #tpu.memory_space<vmem>>)
      tpu.yield
    }) : () -> ()
    %add3A_49 = arith.constant 512 : i32
    %add3A_50 = arith.addi %mul3A_20, %add3A_49 : i32
    %add3A_51 = arith.addi %add3A_50, %select_n3A_45 : i32
    %multiple_of3A_52 = tpu.assume_multiple %add3A_51, 8 : i32
    %run_scoped3A_53 = arith.constant 1 : i32
    "tpu.region"() ({
      %run_scoped3A_1277 = tpu.sem_alloc : memref<!tpu.dma_semaphore, #tpu.memory_space<semaphore_mem>>
      %dma_start3A_1278 = arith.constant 0 : i32
      %dma_start3A_1279 = tpu.memref_slice %arg6[%run_scoped3A_53, %dma_start3A_1278] : memref<4x256xi32, #tpu.memory_space<vmem>> -> memref<1x256xi32, #tpu.memory_space<vmem>>
      %dma_start3A_1280 = tpu.memref_squeeze %dma_start3A_1279 : memref<1x256xi32, #tpu.memory_space<vmem>> -> memref<256xi32, #tpu.memory_space<vmem>>
      %dma_start3A_1281 = tpu.memref_slice %arg3[%multiple_of3A_52] : memref<32768xi32, #tpu.memory_space<hbm>> -> memref<256xi32, #tpu.memory_space<hbm>>
      %dma_start3A_1282 = arith.constant 0 : i32
      %dma_start3A_1283 = tpu.memref_slice %arg6[%run_scoped3A_53, %dma_start3A_1282] : memref<4x256xi32, #tpu.memory_space<vmem>> -> memref<1x256xi32, #tpu.memory_space<vmem>>
      %dma_start3A_1284 = tpu.memref_squeeze %dma_start3A_1283 : memref<1x256xi32, #tpu.memory_space<vmem>> -> memref<256xi32, #tpu.memory_space<vmem>>
      %dma_start3A_1285 = tpu.memref_slice %arg3[%multiple_of3A_52] : memref<32768xi32, #tpu.memory_space<hbm>> -> memref<256xi32, #tpu.memory_space<hbm>>
      tpu.enqueue_dma source(%dma_start3A_1285 : memref<256xi32, #tpu.memory_space<hbm>>) target(%dma_start3A_1284 : memref<256xi32, #tpu.memory_space<vmem>>) target_semaphore(%run_scoped3A_1277 : memref<!tpu.dma_semaphore, #tpu.memory_space<semaphore_mem>>)
      %dma_wait3A_1286 = arith.constant 0 : i32
      %dma_wait3A_1287 = tpu.memref_slice %arg6[%run_scoped3A_53, %dma_wait3A_1286] : memref<4x256xi32, #tpu.memory_space<vmem>> -> memref<1x256xi32, #tpu.memory_space<vmem>>
      %dma_wait3A_1288 = tpu.memref_squeeze %dma_wait3A_1287 : memref<1x256xi32, #tpu.memory_space<vmem>> -> memref<256xi32, #tpu.memory_space<vmem>>
      %dma_wait3A_1289 = tpu.memref_slice %arg3[%multiple_of3A_52] : memref<32768xi32, #tpu.memory_space<hbm>> -> memref<256xi32, #tpu.memory_space<hbm>>
      %dma_wait3A_1290 = arith.constant 0 : i32
      %dma_wait3A_1291 = tpu.memref_slice %arg6[%run_scoped3A_53, %dma_wait3A_1290] : memref<4x256xi32, #tpu.memory_space<vmem>> -> memref<1x256xi32, #tpu.memory_space<vmem>>
      %dma_wait3A_1292 = tpu.memref_squeeze %dma_wait3A_1291 : memref<1x256xi32, #tpu.memory_space<vmem>> -> memref<256xi32, #tpu.memory_space<vmem>>
      %dma_wait3A_1293 = tpu.memref_slice %arg3[%multiple_of3A_52] : memref<32768xi32, #tpu.memory_space<hbm>> -> memref<256xi32, #tpu.memory_space<hbm>>
      tpu.wait_dma2 semaphore(%run_scoped3A_1277 : memref<!tpu.dma_semaphore, #tpu.memory_space<semaphore_mem>>) src(%dma_wait3A_1293 : memref<256xi32, #tpu.memory_space<hbm>>) dst(%dma_wait3A_1292 : memref<256xi32, #tpu.memory_space<vmem>>)
      tpu.yield
    }) : () -> ()
    %add3A_54 = arith.constant 1024 : i32
    %add3A_55 = arith.addi %mul3A_20, %add3A_54 : i32
    %add3A_56 = arith.addi %add3A_55, %select_n3A_45 : i32
    %multiple_of3A_57 = tpu.assume_multiple %add3A_56, 8 : i32
    %run_scoped3A_58 = arith.constant 2 : i32
    "tpu.region"() ({
      %run_scoped3A_1277 = tpu.sem_alloc : memref<!tpu.dma_semaphore, #tpu.memory_space<semaphore_mem>>
      %dma_start3A_1278 = arith.constant 0 : i32
      %dma_start3A_1279 = tpu.memref_slice %arg6[%run_scoped3A_58, %dma_start3A_1278] : memref<4x256xi32, #tpu.memory_space<vmem>> -> memref<1x256xi32, #tpu.memory_space<vmem>>
      %dma_start3A_1280 = tpu.memref_squeeze %dma_start3A_1279 : memref<1x256xi32, #tpu.memory_space<vmem>> -> memref<256xi32, #tpu.memory_space<vmem>>
      %dma_start3A_1281 = tpu.memref_slice %arg3[%multiple_of3A_57] : memref<32768xi32, #tpu.memory_space<hbm>> -> memref<256xi32, #tpu.memory_space<hbm>>
      %dma_start3A_1282 = arith.constant 0 : i32
      %dma_start3A_1283 = tpu.memref_slice %arg6[%run_scoped3A_58, %dma_start3A_1282] : memref<4x256xi32, #tpu.memory_space<vmem>> -> memref<1x256xi32, #tpu.memory_space<vmem>>
      %dma_start3A_1284 = tpu.memref_squeeze %dma_start3A_1283 : memref<1x256xi32, #tpu.memory_space<vmem>> -> memref<256xi32, #tpu.memory_space<vmem>>
      %dma_start3A_1285 = tpu.memref_slice %arg3[%multiple_of3A_57] : memref<32768xi32, #tpu.memory_space<hbm>> -> memref<256xi32, #tpu.memory_space<hbm>>
      tpu.enqueue_dma source(%dma_start3A_1285 : memref<256xi32, #tpu.memory_space<hbm>>) target(%dma_start3A_1284 : memref<256xi32, #tpu.memory_space<vmem>>) target_semaphore(%run_scoped3A_1277 : memref<!tpu.dma_semaphore, #tpu.memory_space<semaphore_mem>>)
      %dma_wait3A_1286 = arith.constant 0 : i32
      %dma_wait3A_1287 = tpu.memref_slice %arg6[%run_scoped3A_58, %dma_wait3A_1286] : memref<4x256xi32, #tpu.memory_space<vmem>> -> memref<1x256xi32, #tpu.memory_space<vmem>>
      %dma_wait3A_1288 = tpu.memref_squeeze %dma_wait3A_1287 : memref<1x256xi32, #tpu.memory_space<vmem>> -> memref<256xi32, #tpu.memory_space<vmem>>
      %dma_wait3A_1289 = tpu.memref_slice %arg3[%multiple_of3A_57] : memref<32768xi32, #tpu.memory_space<hbm>> -> memref<256xi32, #tpu.memory_space<hbm>>
      %dma_wait3A_1290 = arith.constant 0 : i32
      %dma_wait3A_1291 = tpu.memref_slice %arg6[%run_scoped3A_58, %dma_wait3A_1290] : memref<4x256xi32, #tpu.memory_space<vmem>> -> memref<1x256xi32, #tpu.memory_space<vmem>>
      %dma_wait3A_1292 = tpu.memref_squeeze %dma_wait3A_1291 : memref<1x256xi32, #tpu.memory_space<vmem>> -> memref<256xi32, #tpu.memory_space<vmem>>
      %dma_wait3A_1293 = tpu.memref_slice %arg3[%multiple_of3A_57] : memref<32768xi32, #tpu.memory_space<hbm>> -> memref<256xi32, #tpu.memory_space<hbm>>
      tpu.wait_dma2 semaphore(%run_scoped3A_1277 : memref<!tpu.dma_semaphore, #tpu.memory_space<semaphore_mem>>) src(%dma_wait3A_1293 : memref<256xi32, #tpu.memory_space<hbm>>) dst(%dma_wait3A_1292 : memref<256xi32, #tpu.memory_space<vmem>>)
      tpu.yield
    }) : () -> ()
    %add3A_59 = arith.constant 1536 : i32
    %add3A_60 = arith.addi %mul3A_20, %add3A_59 : i32
    %add3A_61 = arith.addi %add3A_60, %select_n3A_45 : i32
    %multiple_of3A_62 = tpu.assume_multiple %add3A_61, 8 : i32
    %run_scoped3A_63 = arith.constant 3 : i32
    "tpu.region"() ({
      %run_scoped3A_1277 = tpu.sem_alloc : memref<!tpu.dma_semaphore, #tpu.memory_space<semaphore_mem>>
      %dma_start3A_1278 = arith.constant 0 : i32
      %dma_start3A_1279 = tpu.memref_slice %arg6[%run_scoped3A_63, %dma_start3A_1278] : memref<4x256xi32, #tpu.memory_space<vmem>> -> memref<1x256xi32, #tpu.memory_space<vmem>>
      %dma_start3A_1280 = tpu.memref_squeeze %dma_start3A_1279 : memref<1x256xi32, #tpu.memory_space<vmem>> -> memref<256xi32, #tpu.memory_space<vmem>>
      %dma_start3A_1281 = tpu.memref_slice %arg3[%multiple_of3A_62] : memref<32768xi32, #tpu.memory_space<hbm>> -> memref<256xi32, #tpu.memory_space<hbm>>
      %dma_start3A_1282 = arith.constant 0 : i32
      %dma_start3A_1283 = tpu.memref_slice %arg6[%run_scoped3A_63, %dma_start3A_1282] : memref<4x256xi32, #tpu.memory_space<vmem>> -> memref<1x256xi32, #tpu.memory_space<vmem>>
      %dma_start3A_1284 = tpu.memref_squeeze %dma_start3A_1283 : memref<1x256xi32, #tpu.memory_space<vmem>> -> memref<256xi32, #tpu.memory_space<vmem>>
      %dma_start3A_1285 = tpu.memref_slice %arg3[%multiple_of3A_62] : memref<32768xi32, #tpu.memory_space<hbm>> -> memref<256xi32, #tpu.memory_space<hbm>>
      tpu.enqueue_dma source(%dma_start3A_1285 : memref<256xi32, #tpu.memory_space<hbm>>) target(%dma_start3A_1284 : memref<256xi32, #tpu.memory_space<vmem>>) target_semaphore(%run_scoped3A_1277 : memref<!tpu.dma_semaphore, #tpu.memory_space<semaphore_mem>>)
      %dma_wait3A_1286 = arith.constant 0 : i32
      %dma_wait3A_1287 = tpu.memref_slice %arg6[%run_scoped3A_63, %dma_wait3A_1286] : memref<4x256xi32, #tpu.memory_space<vmem>> -> memref<1x256xi32, #tpu.memory_space<vmem>>
      %dma_wait3A_1288 = tpu.memref_squeeze %dma_wait3A_1287 : memref<1x256xi32, #tpu.memory_space<vmem>> -> memref<256xi32, #tpu.memory_space<vmem>>
      %dma_wait3A_1289 = tpu.memref_slice %arg3[%multiple_of3A_62] : memref<32768xi32, #tpu.memory_space<hbm>> -> memref<256xi32, #tpu.memory_space<hbm>>
      %dma_wait3A_1290 = arith.constant 0 : i32
      %dma_wait3A_1291 = tpu.memref_slice %arg6[%run_scoped3A_63, %dma_wait3A_1290] : memref<4x256xi32, #tpu.memory_space<vmem>> -> memref<1x256xi32, #tpu.memory_space<vmem>>
      %dma_wait3A_1292 = tpu.memref_squeeze %dma_wait3A_1291 : memref<1x256xi32, #tpu.memory_space<vmem>> -> memref<256xi32, #tpu.memory_space<vmem>>
      %dma_wait3A_1293 = tpu.memref_slice %arg3[%multiple_of3A_62] : memref<32768xi32, #tpu.memory_space<hbm>> -> memref<256xi32, #tpu.memory_space<hbm>>
      tpu.wait_dma2 semaphore(%run_scoped3A_1277 : memref<!tpu.dma_semaphore, #tpu.memory_space<semaphore_mem>>) src(%dma_wait3A_1293 : memref<256xi32, #tpu.memory_space<hbm>>) dst(%dma_wait3A_1292 : memref<256xi32, #tpu.memory_space<vmem>>)
      tpu.yield
    }) : () -> ()
    %iota3A = tpu.iota {dimensions = array<i32: 0>} : vector<16xi32>
    %get3A = arith.constant 0 : i32
    %get3A_64 = arith.index_cast %get3A : i32 to index
    %get3A_65 = arith.constant 0 : index
    %get3A_66 = tpu.vector_load %arg6[%get3A_64, %get3A_65] {strides = array<i32>} : memref<4x256xi32, #tpu.memory_space<vmem>>, vector<16xi32>,
    %add3A_67 = arith.constant 0 : i32
    %add3A_68 = vector.broadcast %add3A_67 : i32 to vector<16xi32>
    %add3A_69 = arith.addi %iota3A, %add3A_68 : vector<16xi32>
    %mul3A_70 = arith.constant 4 : i32
    %mul3A_71 = vector.broadcast %mul3A_70 : i32 to vector<16xi32>
    %mul3A_72 = arith.muli %add3A_69, %mul3A_71 : vector<16xi32>
    %add3A_73 = arith.constant 0 : i32
    %add3A_74 = vector.broadcast %add3A_73 : i32 to vector<16xi32>
    %add3A_75 = arith.addi %mul3A_72, %add3A_74 : vector<16xi32>
    tpu.vector_store_idx %arg5[%add3A_75], %get3A_66 : memref<1024xi32, #tpu.memory_space<vmem>>[vector<16xi32>], vector<16xi32>,
    %get3A_76 = arith.constant 0 : i32
    %get3A_77 = arith.index_cast %get3A_76 : i32 to index
    %get3A_78 = arith.constant 16 : index
    %get3A_79 = tpu.vector_load %arg6[%get3A_77, %get3A_78] {strides = array<i32>} : memref<4x256xi32, #tpu.memory_space<vmem>>, vector<16xi32>,
    %add3A_80 = arith.constant 16 : i32
    %add3A_81 = vector.broadcast %add3A_80 : i32 to vector<16xi32>
    %add3A_82 = arith.addi %iota3A, %add3A_81 : vector<16xi32>
    %mul3A_83 = arith.constant 4 : i32
    %mul3A_84 = vector.broadcast %mul3A_83 : i32 to vector<16xi32>
    %mul3A_85 = arith.muli %add3A_82, %mul3A_84 : vector<16xi32>
    %add3A_86 = arith.constant 0 : i32
    %add3A_87 = vector.broadcast %add3A_86 : i32 to vector<16xi32>
    %add3A_88 = arith.addi %mul3A_85, %add3A_87 : vector<16xi32>
    tpu.vector_store_idx %arg5[%add3A_88], %get3A_79 : memref<1024xi32, #tpu.memory_space<vmem>>[vector<16xi32>], vector<16xi32>,
    %get3A_89 = arith.constant 0 : i32
    %get3A_90 = arith.index_cast %get3A_89 : i32 to index
    %get3A_91 = arith.constant 32 : index
    %get3A_92 = tpu.vector_load %arg6[%get3A_90, %get3A_91] {strides = array<i32>} : memref<4x256xi32, #tpu.memory_space<vmem>>, vector<16xi32>,
    %add3A_93 = arith.constant 32 : i32
    %add3A_94 = vector.broadcast %add3A_93 : i32 to vector<16xi32>
    %add3A_95 = arith.addi %iota3A, %add3A_94 : vector<16xi32>
    %mul3A_96 = arith.constant 4 : i32
    %mul3A_97 = vector.broadcast %mul3A_96 : i32 to vector<16xi32>
    %mul3A_98 = arith.muli %add3A_95, %mul3A_97 : vector<16xi32>
    %add3A_99 = arith.constant 0 : i32
    %add3A_100 = vector.broadcast %add3A_99 : i32 to vector<16xi32>
    %add3A_101 = arith.addi %mul3A_98, %add3A_100 : vector<16xi32>
    tpu.vector_store_idx %arg5[%add3A_101], %get3A_92 : memref<1024xi32, #tpu.memory_space<vmem>>[vector<16xi32>], vector<16xi32>,
    %get3A_102 = arith.constant 0 : i32
    %get3A_103 = arith.index_cast %get3A_102 : i32 to index
    %get3A_104 = arith.constant 48 : index
    %get3A_105 = tpu.vector_load %arg6[%get3A_103, %get3A_104] {strides = array<i32>} : memref<4x256xi32, #tpu.memory_space<vmem>>, vector<16xi32>,
    %add3A_106 = arith.constant 48 : i32
    %add3A_107 = vector.broadcast %add3A_106 : i32 to vector<16xi32>
    %add3A_108 = arith.addi %iota3A, %add3A_107 : vector<16xi32>
    %mul3A_109 = arith.constant 4 : i32
    %mul3A_110 = vector.broadcast %mul3A_109 : i32 to vector<16xi32>
    %mul3A_111 = arith.muli %add3A_108, %mul3A_110 : vector<16xi32>
    %add3A_112 = arith.constant 0 : i32
    %add3A_113 = vector.broadcast %add3A_112 : i32 to vector<16xi32>
    %add3A_114 = arith.addi %mul3A_111, %add3A_113 : vector<16xi32>
    tpu.vector_store_idx %arg5[%add3A_114], %get3A_105 : memref<1024xi32, #tpu.memory_space<vmem>>[vector<16xi32>], vector<16xi32>,
    %get3A_115 = arith.constant 0 : i32
    %get3A_116 = arith.index_cast %get3A_115 : i32 to index
    %get3A_117 = arith.constant 64 : index
    %get3A_118 = tpu.vector_load %arg6[%get3A_116, %get3A_117] {strides = array<i32>} : memref<4x256xi32, #tpu.memory_space<vmem>>, vector<16xi32>,
    %add3A_119 = arith.constant 64 : i32
    %add3A_120 = vector.broadcast %add3A_119 : i32 to vector<16xi32>
    %add3A_121 = arith.addi %iota3A, %add3A_120 : vector<16xi32>
    %mul3A_122 = arith.constant 4 : i32
    %mul3A_123 = vector.broadcast %mul3A_122 : i32 to vector<16xi32>
    %mul3A_124 = arith.muli %add3A_121, %mul3A_123 : vector<16xi32>
    %add3A_125 = arith.constant 0 : i32
    %add3A_126 = vector.broadcast %add3A_125 : i32 to vector<16xi32>
    %add3A_127 = arith.addi %mul3A_124, %add3A_126 : vector<16xi32>
    tpu.vector_store_idx %arg5[%add3A_127], %get3A_118 : memref<1024xi32, #tpu.memory_space<vmem>>[vector<16xi32>], vector<16xi32>,
    %get3A_128 = arith.constant 0 : i32
    %get3A_129 = arith.index_cast %get3A_128 : i32 to index
    %get3A_130 = arith.constant 80 : index
    %get3A_131 = tpu.vector_load %arg6[%get3A_129, %get3A_130] {strides = array<i32>} : memref<4x256xi32, #tpu.memory_space<vmem>>, vector<16xi32>,
    %add3A_132 = arith.constant 80 : i32
    %add3A_133 = vector.broadcast %add3A_132 : i32 to vector<16xi32>
    %add3A_134 = arith.addi %iota3A, %add3A_133 : vector<16xi32>
    %mul3A_135 = arith.constant 4 : i32
    %mul3A_136 = vector.broadcast %mul3A_135 : i32 to vector<16xi32>
    %mul3A_137 = arith.muli %add3A_134, %mul3A_136 : vector<16xi32>
    %add3A_138 = arith.constant 0 : i32
    %add3A_139 = vector.broadcast %add3A_138 : i32 to vector<16xi32>
    %add3A_140 = arith.addi %mul3A_137, %add3A_139 : vector<16xi32>
    tpu.vector_store_idx %arg5[%add3A_140], %get3A_131 : memref<1024xi32, #tpu.memory_space<vmem>>[vector<16xi32>], vector<16xi32>,
    %get3A_141 = arith.constant 0 : i32
    %get3A_142 = arith.index_cast %get3A_141 : i32 to index
    %get3A_143 = arith.constant 96 : index
    %get3A_144 = tpu.vector_load %arg6[%get3A_142, %get3A_143] {strides = array<i32>} : memref<4x256xi32, #tpu.memory_space<vmem>>, vector<16xi32>,
    %add3A_145 = arith.constant 96 : i32
    %add3A_146 = vector.broadcast %add3A_145 : i32 to vector<16xi32>
    %add3A_147 = arith.addi %iota3A, %add3A_146 : vector<16xi32>
    %mul3A_148 = arith.constant 4 : i32
    %mul3A_149 = vector.broadcast %mul3A_148 : i32 to vector<16xi32>
    %mul3A_150 = arith.muli %add3A_147, %mul3A_149 : vector<16xi32>
    %add3A_151 = arith.constant 0 : i32
    %add3A_152 = vector.broadcast %add3A_151 : i32 to vector<16xi32>
    %add3A_153 = arith.addi %mul3A_150, %add3A_152 : vector<16xi32>
    tpu.vector_store_idx %arg5[%add3A_153], %get3A_144 : memref<1024xi32, #tpu.memory_space<vmem>>[vector<16xi32>], vector<16xi32>,
    %get3A_154 = arith.constant 0 : i32
    %get3A_155 = arith.index_cast %get3A_154 : i32 to index
    %get3A_156 = arith.constant 112 : index
    %get3A_157 = tpu.vector_load %arg6[%get3A_155, %get3A_156] {strides = array<i32>} : memref<4x256xi32, #tpu.memory_space<vmem>>, vector<16xi32>,
    %add3A_158 = arith.constant 112 : i32
    %add3A_159 = vector.broadcast %add3A_158 : i32 to vector<16xi32>
    %add3A_160 = arith.addi %iota3A, %add3A_159 : vector<16xi32>
    %mul3A_161 = arith.constant 4 : i32
    %mul3A_162 = vector.broadcast %mul3A_161 : i32 to vector<16xi32>
    %mul3A_163 = arith.muli %add3A_160, %mul3A_162 : vector<16xi32>
    %add3A_164 = arith.constant 0 : i32
    %add3A_165 = vector.broadcast %add3A_164 : i32 to vector<16xi32>
    %add3A_166 = arith.addi %mul3A_163, %add3A_165 : vector<16xi32>
    tpu.vector_store_idx %arg5[%add3A_166], %get3A_157 : memref<1024xi32, #tpu.memory_space<vmem>>[vector<16xi32>], vector<16xi32>,
    %get3A_167 = arith.constant 0 : i32
    %get3A_168 = arith.index_cast %get3A_167 : i32 to index
    %get3A_169 = arith.constant 128 : index
    %get3A_170 = tpu.vector_load %arg6[%get3A_168, %get3A_169] {strides = array<i32>} : memref<4x256xi32, #tpu.memory_space<vmem>>, vector<16xi32>,
    %add3A_171 = arith.constant 128 : i32
    %add3A_172 = vector.broadcast %add3A_171 : i32 to vector<16xi32>
    %add3A_173 = arith.addi %iota3A, %add3A_172 : vector<16xi32>
    %mul3A_174 = arith.constant 4 : i32
    %mul3A_175 = vector.broadcast %mul3A_174 : i32 to vector<16xi32>
    %mul3A_176 = arith.muli %add3A_173, %mul3A_175 : vector<16xi32>
    %add3A_177 = arith.constant 0 : i32
    %add3A_178 = vector.broadcast %add3A_177 : i32 to vector<16xi32>
    %add3A_179 = arith.addi %mul3A_176, %add3A_178 : vector<16xi32>
    tpu.vector_store_idx %arg5[%add3A_179], %get3A_170 : memref<1024xi32, #tpu.memory_space<vmem>>[vector<16xi32>], vector<16xi32>,
    %get3A_180 = arith.constant 0 : i32
    %get3A_181 = arith.index_cast %get3A_180 : i32 to index
    %get3A_182 = arith.constant 144 : index
    %get3A_183 = tpu.vector_load %arg6[%get3A_181, %get3A_182] {strides = array<i32>} : memref<4x256xi32, #tpu.memory_space<vmem>>, vector<16xi32>,
    %add3A_184 = arith.constant 144 : i32
    %add3A_185 = vector.broadcast %add3A_184 : i32 to vector<16xi32>
    %add3A_186 = arith.addi %iota3A, %add3A_185 : vector<16xi32>
    %mul3A_187 = arith.constant 4 : i32
    %mul3A_188 = vector.broadcast %mul3A_187 : i32 to vector<16xi32>
    %mul3A_189 = arith.muli %add3A_186, %mul3A_188 : vector<16xi32>
    %add3A_190 = arith.constant 0 : i32
    %add3A_191 = vector.broadcast %add3A_190 : i32 to vector<16xi32>
    %add3A_192 = arith.addi %mul3A_189, %add3A_191 : vector<16xi32>
    tpu.vector_store_idx %arg5[%add3A_192], %get3A_183 : memref<1024xi32, #tpu.memory_space<vmem>>[vector<16xi32>], vector<16xi32>,
    %get3A_193 = arith.constant 0 : i32
    %get3A_194 = arith.index_cast %get3A_193 : i32 to index
    %get3A_195 = arith.constant 160 : index
    %get3A_196 = tpu.vector_load %arg6[%get3A_194, %get3A_195] {strides = array<i32>} : memref<4x256xi32, #tpu.memory_space<vmem>>, vector<16xi32>,
    %add3A_197 = arith.constant 160 : i32
    %add3A_198 = vector.broadcast %add3A_197 : i32 to vector<16xi32>
    %add3A_199 = arith.addi %iota3A, %add3A_198 : vector<16xi32>
    %mul3A_200 = arith.constant 4 : i32
    %mul3A_201 = vector.broadcast %mul3A_200 : i32 to vector<16xi32>
    %mul3A_202 = arith.muli %add3A_199, %mul3A_201 : vector<16xi32>
    %add3A_203 = arith.constant 0 : i32
    %add3A_204 = vector.broadcast %add3A_203 : i32 to vector<16xi32>
    %add3A_205 = arith.addi %mul3A_202, %add3A_204 : vector<16xi32>
    tpu.vector_store_idx %arg5[%add3A_205], %get3A_196 : memref<1024xi32, #tpu.memory_space<vmem>>[vector<16xi32>], vector<16xi32>,
    %get3A_206 = arith.constant 0 : i32
    %get3A_207 = arith.index_cast %get3A_206 : i32 to index
    %get3A_208 = arith.constant 176 : index
    %get3A_209 = tpu.vector_load %arg6[%get3A_207, %get3A_208] {strides = array<i32>} : memref<4x256xi32, #tpu.memory_space<vmem>>, vector<16xi32>,
    %add3A_210 = arith.constant 176 : i32
    %add3A_211 = vector.broadcast %add3A_210 : i32 to vector<16xi32>
    %add3A_212 = arith.addi %iota3A, %add3A_211 : vector<16xi32>
    %mul3A_213 = arith.constant 4 : i32
    %mul3A_214 = vector.broadcast %mul3A_213 : i32 to vector<16xi32>
    %mul3A_215 = arith.muli %add3A_212, %mul3A_214 : vector<16xi32>
    %add3A_216 = arith.constant 0 : i32
    %add3A_217 = vector.broadcast %add3A_216 : i32 to vector<16xi32>
    %add3A_218 = arith.addi %mul3A_215, %add3A_217 : vector<16xi32>
    tpu.vector_store_idx %arg5[%add3A_218], %get3A_209 : memref<1024xi32, #tpu.memory_space<vmem>>[vector<16xi32>], vector<16xi32>,
    %get3A_219 = arith.constant 0 : i32
    %get3A_220 = arith.index_cast %get3A_219 : i32 to index
    %get3A_221 = arith.constant 192 : index
    %get3A_222 = tpu.vector_load %arg6[%get3A_220, %get3A_221] {strides = array<i32>} : memref<4x256xi32, #tpu.memory_space<vmem>>, vector<16xi32>,
    %add3A_223 = arith.constant 192 : i32
    %add3A_224 = vector.broadcast %add3A_223 : i32 to vector<16xi32>
    %add3A_225 = arith.addi %iota3A, %add3A_224 : vector<16xi32>
    %mul3A_226 = arith.constant 4 : i32
    %mul3A_227 = vector.broadcast %mul3A_226 : i32 to vector<16xi32>
    %mul3A_228 = arith.muli %add3A_225, %mul3A_227 : vector<16xi32>
    %add3A_229 = arith.constant 0 : i32
    %add3A_230 = vector.broadcast %add3A_229 : i32 to vector<16xi32>
    %add3A_231 = arith.addi %mul3A_228, %add3A_230 : vector<16xi32>
    tpu.vector_store_idx %arg5[%add3A_231], %get3A_222 : memref<1024xi32, #tpu.memory_space<vmem>>[vector<16xi32>], vector<16xi32>,
    %get3A_232 = arith.constant 0 : i32
    %get3A_233 = arith.index_cast %get3A_232 : i32 to index
    %get3A_234 = arith.constant 208 : index
    %get3A_235 = tpu.vector_load %arg6[%get3A_233, %get3A_234] {strides = array<i32>} : memref<4x256xi32, #tpu.memory_space<vmem>>, vector<16xi32>,
    %add3A_236 = arith.constant 208 : i32
    %add3A_237 = vector.broadcast %add3A_236 : i32 to vector<16xi32>
    %add3A_238 = arith.addi %iota3A, %add3A_237 : vector<16xi32>
    %mul3A_239 = arith.constant 4 : i32
    %mul3A_240 = vector.broadcast %mul3A_239 : i32 to vector<16xi32>
    %mul3A_241 = arith.muli %add3A_238, %mul3A_240 : vector<16xi32>
    %add3A_242 = arith.constant 0 : i32
    %add3A_243 = vector.broadcast %add3A_242 : i32 to vector<16xi32>
    %add3A_244 = arith.addi %mul3A_241, %add3A_243 : vector<16xi32>
    tpu.vector_store_idx %arg5[%add3A_244], %get3A_235 : memref<1024xi32, #tpu.memory_space<vmem>>[vector<16xi32>], vector<16xi32>,
    %get3A_245 = arith.constant 0 : i32
    %get3A_246 = arith.index_cast %get3A_245 : i32 to index
    %get3A_247 = arith.constant 224 : index
    %get3A_248 = tpu.vector_load %arg6[%get3A_246, %get3A_247] {strides = array<i32>} : memref<4x256xi32, #tpu.memory_space<vmem>>, vector<16xi32>,
    %add3A_249 = arith.constant 224 : i32
    %add3A_250 = vector.broadcast %add3A_249 : i32 to vector<16xi32>
    %add3A_251 = arith.addi %iota3A, %add3A_250 : vector<16xi32>
    %mul3A_252 = arith.constant 4 : i32
    %mul3A_253 = vector.broadcast %mul3A_252 : i32 to vector<16xi32>
    %mul3A_254 = arith.muli %add3A_251, %mul3A_253 : vector<16xi32>
    %add3A_255 = arith.constant 0 : i32
    %add3A_256 = vector.broadcast %add3A_255 : i32 to vector<16xi32>
    %add3A_257 = arith.addi %mul3A_254, %add3A_256 : vector<16xi32>
    tpu.vector_store_idx %arg5[%add3A_257], %get3A_248 : memref<1024xi32, #tpu.memory_space<vmem>>[vector<16xi32>], vector<16xi32>,
    %get3A_258 = arith.constant 0 : i32
    %get3A_259 = arith.index_cast %get3A_258 : i32 to index
    %get3A_260 = arith.constant 240 : index
    %get3A_261 = tpu.vector_load %arg6[%get3A_259, %get3A_260] {strides = array<i32>} : memref<4x256xi32, #tpu.memory_space<vmem>>, vector<16xi32>,
    %add3A_262 = arith.constant 240 : i32
    %add3A_263 = vector.broadcast %add3A_262 : i32 to vector<16xi32>
    %add3A_264 = arith.addi %iota3A, %add3A_263 : vector<16xi32>
    %mul3A_265 = arith.constant 4 : i32
    %mul3A_266 = vector.broadcast %mul3A_265 : i32 to vector<16xi32>
    %mul3A_267 = arith.muli %add3A_264, %mul3A_266 : vector<16xi32>
    %add3A_268 = arith.constant 0 : i32
    %add3A_269 = vector.broadcast %add3A_268 : i32 to vector<16xi32>
    %add3A_270 = arith.addi %mul3A_267, %add3A_269 : vector<16xi32>
    tpu.vector_store_idx %arg5[%add3A_270], %get3A_261 : memref<1024xi32, #tpu.memory_space<vmem>>[vector<16xi32>], vector<16xi32>,
    %get3A_271 = arith.constant 1 : i32
    %get3A_272 = arith.index_cast %get3A_271 : i32 to index
    %get3A_273 = arith.constant 0 : index
    %get3A_274 = tpu.vector_load %arg6[%get3A_272, %get3A_273] {strides = array<i32>} : memref<4x256xi32, #tpu.memory_space<vmem>>, vector<16xi32>,
    %add3A_275 = arith.constant 0 : i32
    %add3A_276 = vector.broadcast %add3A_275 : i32 to vector<16xi32>
    %add3A_277 = arith.addi %iota3A, %add3A_276 : vector<16xi32>
    %mul3A_278 = arith.constant 4 : i32
    %mul3A_279 = vector.broadcast %mul3A_278 : i32 to vector<16xi32>
    %mul3A_280 = arith.muli %add3A_277, %mul3A_279 : vector<16xi32>
    %add3A_281 = arith.constant 1 : i32
    %add3A_282 = vector.broadcast %add3A_281 : i32 to vector<16xi32>
    %add3A_283 = arith.addi %mul3A_280, %add3A_282 : vector<16xi32>
    tpu.vector_store_idx %arg5[%add3A_283], %get3A_274 : memref<1024xi32, #tpu.memory_space<vmem>>[vector<16xi32>], vector<16xi32>,
    %get3A_284 = arith.constant 1 : i32
    %get3A_285 = arith.index_cast %get3A_284 : i32 to index
    %get3A_286 = arith.constant 16 : index
    %get3A_287 = tpu.vector_load %arg6[%get3A_285, %get3A_286] {strides = array<i32>} : memref<4x256xi32, #tpu.memory_space<vmem>>, vector<16xi32>,
    %add3A_288 = arith.constant 16 : i32
    %add3A_289 = vector.broadcast %add3A_288 : i32 to vector<16xi32>
    %add3A_290 = arith.addi %iota3A, %add3A_289 : vector<16xi32>
    %mul3A_291 = arith.constant 4 : i32
    %mul3A_292 = vector.broadcast %mul3A_291 : i32 to vector<16xi32>
    %mul3A_293 = arith.muli %add3A_290, %mul3A_292 : vector<16xi32>
    %add3A_294 = arith.constant 1 : i32
    %add3A_295 = vector.broadcast %add3A_294 : i32 to vector<16xi32>
    %add3A_296 = arith.addi %mul3A_293, %add3A_295 : vector<16xi32>
    tpu.vector_store_idx %arg5[%add3A_296], %get3A_287 : memref<1024xi32, #tpu.memory_space<vmem>>[vector<16xi32>], vector<16xi32>,
    %get3A_297 = arith.constant 1 : i32
    %get3A_298 = arith.index_cast %get3A_297 : i32 to index
    %get3A_299 = arith.constant 32 : index
    %get3A_300 = tpu.vector_load %arg6[%get3A_298, %get3A_299] {strides = array<i32>} : memref<4x256xi32, #tpu.memory_space<vmem>>, vector<16xi32>,
    %add3A_301 = arith.constant 32 : i32
    %add3A_302 = vector.broadcast %add3A_301 : i32 to vector<16xi32>
    %add3A_303 = arith.addi %iota3A, %add3A_302 : vector<16xi32>
    %mul3A_304 = arith.constant 4 : i32
    %mul3A_305 = vector.broadcast %mul3A_304 : i32 to vector<16xi32>
    %mul3A_306 = arith.muli %add3A_303, %mul3A_305 : vector<16xi32>
    %add3A_307 = arith.constant 1 : i32
    %add3A_308 = vector.broadcast %add3A_307 : i32 to vector<16xi32>
    %add3A_309 = arith.addi %mul3A_306, %add3A_308 : vector<16xi32>
    tpu.vector_store_idx %arg5[%add3A_309], %get3A_300 : memref<1024xi32, #tpu.memory_space<vmem>>[vector<16xi32>], vector<16xi32>,
    %get3A_310 = arith.constant 1 : i32
    %get3A_311 = arith.index_cast %get3A_310 : i32 to index
    %get3A_312 = arith.constant 48 : index
    %get3A_313 = tpu.vector_load %arg6[%get3A_311, %get3A_312] {strides = array<i32>} : memref<4x256xi32, #tpu.memory_space<vmem>>, vector<16xi32>,
    %add3A_314 = arith.constant 48 : i32
    %add3A_315 = vector.broadcast %add3A_314 : i32 to vector<16xi32>
    %add3A_316 = arith.addi %iota3A, %add3A_315 : vector<16xi32>
    %mul3A_317 = arith.constant 4 : i32
    %mul3A_318 = vector.broadcast %mul3A_317 : i32 to vector<16xi32>
    %mul3A_319 = arith.muli %add3A_316, %mul3A_318 : vector<16xi32>
    %add3A_320 = arith.constant 1 : i32
    %add3A_321 = vector.broadcast %add3A_320 : i32 to vector<16xi32>
    %add3A_322 = arith.addi %mul3A_319, %add3A_321 : vector<16xi32>
    tpu.vector_store_idx %arg5[%add3A_322], %get3A_313 : memref<1024xi32, #tpu.memory_space<vmem>>[vector<16xi32>], vector<16xi32>,
    %get3A_323 = arith.constant 1 : i32
    %get3A_324 = arith.index_cast %get3A_323 : i32 to index
    %get3A_325 = arith.constant 64 : index
    %get3A_326 = tpu.vector_load %arg6[%get3A_324, %get3A_325] {strides = array<i32>} : memref<4x256xi32, #tpu.memory_space<vmem>>, vector<16xi32>,
    %add3A_327 = arith.constant 64 : i32
    %add3A_328 = vector.broadcast %add3A_327 : i32 to vector<16xi32>
    %add3A_329 = arith.addi %iota3A, %add3A_328 : vector<16xi32>
    %mul3A_330 = arith.constant 4 : i32
    %mul3A_331 = vector.broadcast %mul3A_330 : i32 to vector<16xi32>
    %mul3A_332 = arith.muli %add3A_329, %mul3A_331 : vector<16xi32>
    %add3A_333 = arith.constant 1 : i32
    %add3A_334 = vector.broadcast %add3A_333 : i32 to vector<16xi32>
    %add3A_335 = arith.addi %mul3A_332, %add3A_334 : vector<16xi32>
    tpu.vector_store_idx %arg5[%add3A_335], %get3A_326 : memref<1024xi32, #tpu.memory_space<vmem>>[vector<16xi32>], vector<16xi32>,
    %get3A_336 = arith.constant 1 : i32
    %get3A_337 = arith.index_cast %get3A_336 : i32 to index
    %get3A_338 = arith.constant 80 : index
    %get3A_339 = tpu.vector_load %arg6[%get3A_337, %get3A_338] {strides = array<i32>} : memref<4x256xi32, #tpu.memory_space<vmem>>, vector<16xi32>,
    %add3A_340 = arith.constant 80 : i32
    %add3A_341 = vector.broadcast %add3A_340 : i32 to vector<16xi32>
    %add3A_342 = arith.addi %iota3A, %add3A_341 : vector<16xi32>
    %mul3A_343 = arith.constant 4 : i32
    %mul3A_344 = vector.broadcast %mul3A_343 : i32 to vector<16xi32>
    %mul3A_345 = arith.muli %add3A_342, %mul3A_344 : vector<16xi32>
    %add3A_346 = arith.constant 1 : i32
    %add3A_347 = vector.broadcast %add3A_346 : i32 to vector<16xi32>
    %add3A_348 = arith.addi %mul3A_345, %add3A_347 : vector<16xi32>
    tpu.vector_store_idx %arg5[%add3A_348], %get3A_339 : memref<1024xi32, #tpu.memory_space<vmem>>[vector<16xi32>], vector<16xi32>,
    %get3A_349 = arith.constant 1 : i32
    %get3A_350 = arith.index_cast %get3A_349 : i32 to index
    %get3A_351 = arith.constant 96 : index
    %get3A_352 = tpu.vector_load %arg6[%get3A_350, %get3A_351] {strides = array<i32>} : memref<4x256xi32, #tpu.memory_space<vmem>>, vector<16xi32>,
    %add3A_353 = arith.constant 96 : i32
    %add3A_354 = vector.broadcast %add3A_353 : i32 to vector<16xi32>
    %add3A_355 = arith.addi %iota3A, %add3A_354 : vector<16xi32>
    %mul3A_356 = arith.constant 4 : i32
    %mul3A_357 = vector.broadcast %mul3A_356 : i32 to vector<16xi32>
    %mul3A_358 = arith.muli %add3A_355, %mul3A_357 : vector<16xi32>
    %add3A_359 = arith.constant 1 : i32
    %add3A_360 = vector.broadcast %add3A_359 : i32 to vector<16xi32>
    %add3A_361 = arith.addi %mul3A_358, %add3A_360 : vector<16xi32>
    tpu.vector_store_idx %arg5[%add3A_361], %get3A_352 : memref<1024xi32, #tpu.memory_space<vmem>>[vector<16xi32>], vector<16xi32>,
    %get3A_362 = arith.constant 1 : i32
    %get3A_363 = arith.index_cast %get3A_362 : i32 to index
    %get3A_364 = arith.constant 112 : index
    %get3A_365 = tpu.vector_load %arg6[%get3A_363, %get3A_364] {strides = array<i32>} : memref<4x256xi32, #tpu.memory_space<vmem>>, vector<16xi32>,
    %add3A_366 = arith.constant 112 : i32
    %add3A_367 = vector.broadcast %add3A_366 : i32 to vector<16xi32>
    %add3A_368 = arith.addi %iota3A, %add3A_367 : vector<16xi32>
    %mul3A_369 = arith.constant 4 : i32
    %mul3A_370 = vector.broadcast %mul3A_369 : i32 to vector<16xi32>
    %mul3A_371 = arith.muli %add3A_368, %mul3A_370 : vector<16xi32>
    %add3A_372 = arith.constant 1 : i32
    %add3A_373 = vector.broadcast %add3A_372 : i32 to vector<16xi32>
    %add3A_374 = arith.addi %mul3A_371, %add3A_373 : vector<16xi32>
    tpu.vector_store_idx %arg5[%add3A_374], %get3A_365 : memref<1024xi32, #tpu.memory_space<vmem>>[vector<16xi32>], vector<16xi32>,
    %get3A_375 = arith.constant 1 : i32
    %get3A_376 = arith.index_cast %get3A_375 : i32 to index
    %get3A_377 = arith.constant 128 : index
    %get3A_378 = tpu.vector_load %arg6[%get3A_376, %get3A_377] {strides = array<i32>} : memref<4x256xi32, #tpu.memory_space<vmem>>, vector<16xi32>,
    %add3A_379 = arith.constant 128 : i32
    %add3A_380 = vector.broadcast %add3A_379 : i32 to vector<16xi32>
    %add3A_381 = arith.addi %iota3A, %add3A_380 : vector<16xi32>
    %mul3A_382 = arith.constant 4 : i32
    %mul3A_383 = vector.broadcast %mul3A_382 : i32 to vector<16xi32>
    %mul3A_384 = arith.muli %add3A_381, %mul3A_383 : vector<16xi32>
    %add3A_385 = arith.constant 1 : i32
    %add3A_386 = vector.broadcast %add3A_385 : i32 to vector<16xi32>
    %add3A_387 = arith.addi %mul3A_384, %add3A_386 : vector<16xi32>
    tpu.vector_store_idx %arg5[%add3A_387], %get3A_378 : memref<1024xi32, #tpu.memory_space<vmem>>[vector<16xi32>], vector<16xi32>,
    %get3A_388 = arith.constant 1 : i32
    %get3A_389 = arith.index_cast %get3A_388 : i32 to index
    %get3A_390 = arith.constant 144 : index
    %get3A_391 = tpu.vector_load %arg6[%get3A_389, %get3A_390] {strides = array<i32>} : memref<4x256xi32, #tpu.memory_space<vmem>>, vector<16xi32>,
    %add3A_392 = arith.constant 144 : i32
    %add3A_393 = vector.broadcast %add3A_392 : i32 to vector<16xi32>
    %add3A_394 = arith.addi %iota3A, %add3A_393 : vector<16xi32>
    %mul3A_395 = arith.constant 4 : i32
    %mul3A_396 = vector.broadcast %mul3A_395 : i32 to vector<16xi32>
    %mul3A_397 = arith.muli %add3A_394, %mul3A_396 : vector<16xi32>
    %add3A_398 = arith.constant 1 : i32
    %add3A_399 = vector.broadcast %add3A_398 : i32 to vector<16xi32>
    %add3A_400 = arith.addi %mul3A_397, %add3A_399 : vector<16xi32>
    tpu.vector_store_idx %arg5[%add3A_400], %get3A_391 : memref<1024xi32, #tpu.memory_space<vmem>>[vector<16xi32>], vector<16xi32>,
    %get3A_401 = arith.constant 1 : i32
    %get3A_402 = arith.index_cast %get3A_401 : i32 to index
    %get3A_403 = arith.constant 160 : index
    %get3A_404 = tpu.vector_load %arg6[%get3A_402, %get3A_403] {strides = array<i32>} : memref<4x256xi32, #tpu.memory_space<vmem>>, vector<16xi32>,
    %add3A_405 = arith.constant 160 : i32
    %add3A_406 = vector.broadcast %add3A_405 : i32 to vector<16xi32>
    %add3A_407 = arith.addi %iota3A, %add3A_406 : vector<16xi32>
    %mul3A_408 = arith.constant 4 : i32
    %mul3A_409 = vector.broadcast %mul3A_408 : i32 to vector<16xi32>
    %mul3A_410 = arith.muli %add3A_407, %mul3A_409 : vector<16xi32>
    %add3A_411 = arith.constant 1 : i32
    %add3A_412 = vector.broadcast %add3A_411 : i32 to vector<16xi32>
    %add3A_413 = arith.addi %mul3A_410, %add3A_412 : vector<16xi32>
    tpu.vector_store_idx %arg5[%add3A_413], %get3A_404 : memref<1024xi32, #tpu.memory_space<vmem>>[vector<16xi32>], vector<16xi32>,
    %get3A_414 = arith.constant 1 : i32
    %get3A_415 = arith.index_cast %get3A_414 : i32 to index
    %get3A_416 = arith.constant 176 : index
    %get3A_417 = tpu.vector_load %arg6[%get3A_415, %get3A_416] {strides = array<i32>} : memref<4x256xi32, #tpu.memory_space<vmem>>, vector<16xi32>,
    %add3A_418 = arith.constant 176 : i32
    %add3A_419 = vector.broadcast %add3A_418 : i32 to vector<16xi32>
    %add3A_420 = arith.addi %iota3A, %add3A_419 : vector<16xi32>
    %mul3A_421 = arith.constant 4 : i32
    %mul3A_422 = vector.broadcast %mul3A_421 : i32 to vector<16xi32>
    %mul3A_423 = arith.muli %add3A_420, %mul3A_422 : vector<16xi32>
    %add3A_424 = arith.constant 1 : i32
    %add3A_425 = vector.broadcast %add3A_424 : i32 to vector<16xi32>
    %add3A_426 = arith.addi %mul3A_423, %add3A_425 : vector<16xi32>
    tpu.vector_store_idx %arg5[%add3A_426], %get3A_417 : memref<1024xi32, #tpu.memory_space<vmem>>[vector<16xi32>], vector<16xi32>,
    %get3A_427 = arith.constant 1 : i32
    %get3A_428 = arith.index_cast %get3A_427 : i32 to index
    %get3A_429 = arith.constant 192 : index
    %get3A_430 = tpu.vector_load %arg6[%get3A_428, %get3A_429] {strides = array<i32>} : memref<4x256xi32, #tpu.memory_space<vmem>>, vector<16xi32>,
    %add3A_431 = arith.constant 192 : i32
    %add3A_432 = vector.broadcast %add3A_431 : i32 to vector<16xi32>
    %add3A_433 = arith.addi %iota3A, %add3A_432 : vector<16xi32>
    %mul3A_434 = arith.constant 4 : i32
    %mul3A_435 = vector.broadcast %mul3A_434 : i32 to vector<16xi32>
    %mul3A_436 = arith.muli %add3A_433, %mul3A_435 : vector<16xi32>
    %add3A_437 = arith.constant 1 : i32
    %add3A_438 = vector.broadcast %add3A_437 : i32 to vector<16xi32>
    %add3A_439 = arith.addi %mul3A_436, %add3A_438 : vector<16xi32>
    tpu.vector_store_idx %arg5[%add3A_439], %get3A_430 : memref<1024xi32, #tpu.memory_space<vmem>>[vector<16xi32>], vector<16xi32>,
    %get3A_440 = arith.constant 1 : i32
    %get3A_441 = arith.index_cast %get3A_440 : i32 to index
    %get3A_442 = arith.constant 208 : index
    %get3A_443 = tpu.vector_load %arg6[%get3A_441, %get3A_442] {strides = array<i32>} : memref<4x256xi32, #tpu.memory_space<vmem>>, vector<16xi32>,
    %add3A_444 = arith.constant 208 : i32
    %add3A_445 = vector.broadcast %add3A_444 : i32 to vector<16xi32>
    %add3A_446 = arith.addi %iota3A, %add3A_445 : vector<16xi32>
    %mul3A_447 = arith.constant 4 : i32
    %mul3A_448 = vector.broadcast %mul3A_447 : i32 to vector<16xi32>
    %mul3A_449 = arith.muli %add3A_446, %mul3A_448 : vector<16xi32>
    %add3A_450 = arith.constant 1 : i32
    %add3A_451 = vector.broadcast %add3A_450 : i32 to vector<16xi32>
    %add3A_452 = arith.addi %mul3A_449, %add3A_451 : vector<16xi32>
    tpu.vector_store_idx %arg5[%add3A_452], %get3A_443 : memref<1024xi32, #tpu.memory_space<vmem>>[vector<16xi32>], vector<16xi32>,
    %get3A_453 = arith.constant 1 : i32
    %get3A_454 = arith.index_cast %get3A_453 : i32 to index
    %get3A_455 = arith.constant 224 : index
    %get3A_456 = tpu.vector_load %arg6[%get3A_454, %get3A_455] {strides = array<i32>} : memref<4x256xi32, #tpu.memory_space<vmem>>, vector<16xi32>,
    %add3A_457 = arith.constant 224 : i32
    %add3A_458 = vector.broadcast %add3A_457 : i32 to vector<16xi32>
    %add3A_459 = arith.addi %iota3A, %add3A_458 : vector<16xi32>
    %mul3A_460 = arith.constant 4 : i32
    %mul3A_461 = vector.broadcast %mul3A_460 : i32 to vector<16xi32>
    %mul3A_462 = arith.muli %add3A_459, %mul3A_461 : vector<16xi32>
    %add3A_463 = arith.constant 1 : i32
    %add3A_464 = vector.broadcast %add3A_463 : i32 to vector<16xi32>
    %add3A_465 = arith.addi %mul3A_462, %add3A_464 : vector<16xi32>
    tpu.vector_store_idx %arg5[%add3A_465], %get3A_456 : memref<1024xi32, #tpu.memory_space<vmem>>[vector<16xi32>], vector<16xi32>,
    %get3A_466 = arith.constant 1 : i32
    %get3A_467 = arith.index_cast %get3A_466 : i32 to index
    %get3A_468 = arith.constant 240 : index
    %get3A_469 = tpu.vector_load %arg6[%get3A_467, %get3A_468] {strides = array<i32>} : memref<4x256xi32, #tpu.memory_space<vmem>>, vector<16xi32>,
    %add3A_470 = arith.constant 240 : i32
    %add3A_471 = vector.broadcast %add3A_470 : i32 to vector<16xi32>
    %add3A_472 = arith.addi %iota3A, %add3A_471 : vector<16xi32>
    %mul3A_473 = arith.constant 4 : i32
    %mul3A_474 = vector.broadcast %mul3A_473 : i32 to vector<16xi32>
    %mul3A_475 = arith.muli %add3A_472, %mul3A_474 : vector<16xi32>
    %add3A_476 = arith.constant 1 : i32
    %add3A_477 = vector.broadcast %add3A_476 : i32 to vector<16xi32>
    %add3A_478 = arith.addi %mul3A_475, %add3A_477 : vector<16xi32>
    tpu.vector_store_idx %arg5[%add3A_478], %get3A_469 : memref<1024xi32, #tpu.memory_space<vmem>>[vector<16xi32>], vector<16xi32>,
    %get3A_479 = arith.constant 2 : i32
    %get3A_480 = arith.index_cast %get3A_479 : i32 to index
    %get3A_481 = arith.constant 0 : index
    %get3A_482 = tpu.vector_load %arg6[%get3A_480, %get3A_481] {strides = array<i32>} : memref<4x256xi32, #tpu.memory_space<vmem>>, vector<16xi32>,
    %add3A_483 = arith.constant 0 : i32
    %add3A_484 = vector.broadcast %add3A_483 : i32 to vector<16xi32>
    %add3A_485 = arith.addi %iota3A, %add3A_484 : vector<16xi32>
    %mul3A_486 = arith.constant 4 : i32
    %mul3A_487 = vector.broadcast %mul3A_486 : i32 to vector<16xi32>
    %mul3A_488 = arith.muli %add3A_485, %mul3A_487 : vector<16xi32>
    %add3A_489 = arith.constant 2 : i32
    %add3A_490 = vector.broadcast %add3A_489 : i32 to vector<16xi32>
    %add3A_491 = arith.addi %mul3A_488, %add3A_490 : vector<16xi32>
    tpu.vector_store_idx %arg5[%add3A_491], %get3A_482 : memref<1024xi32, #tpu.memory_space<vmem>>[vector<16xi32>], vector<16xi32>,
    %get3A_492 = arith.constant 2 : i32
    %get3A_493 = arith.index_cast %get3A_492 : i32 to index
    %get3A_494 = arith.constant 16 : index
    %get3A_495 = tpu.vector_load %arg6[%get3A_493, %get3A_494] {strides = array<i32>} : memref<4x256xi32, #tpu.memory_space<vmem>>, vector<16xi32>,
    %add3A_496 = arith.constant 16 : i32
    %add3A_497 = vector.broadcast %add3A_496 : i32 to vector<16xi32>
    %add3A_498 = arith.addi %iota3A, %add3A_497 : vector<16xi32>
    %mul3A_499 = arith.constant 4 : i32
    %mul3A_500 = vector.broadcast %mul3A_499 : i32 to vector<16xi32>
    %mul3A_501 = arith.muli %add3A_498, %mul3A_500 : vector<16xi32>
    %add3A_502 = arith.constant 2 : i32
    %add3A_503 = vector.broadcast %add3A_502 : i32 to vector<16xi32>
    %add3A_504 = arith.addi %mul3A_501, %add3A_503 : vector<16xi32>
    tpu.vector_store_idx %arg5[%add3A_504], %get3A_495 : memref<1024xi32, #tpu.memory_space<vmem>>[vector<16xi32>], vector<16xi32>,
    %get3A_505 = arith.constant 2 : i32
    %get3A_506 = arith.index_cast %get3A_505 : i32 to index
    %get3A_507 = arith.constant 32 : index
    %get3A_508 = tpu.vector_load %arg6[%get3A_506, %get3A_507] {strides = array<i32>} : memref<4x256xi32, #tpu.memory_space<vmem>>, vector<16xi32>,
    %add3A_509 = arith.constant 32 : i32
    %add3A_510 = vector.broadcast %add3A_509 : i32 to vector<16xi32>
    %add3A_511 = arith.addi %iota3A, %add3A_510 : vector<16xi32>
    %mul3A_512 = arith.constant 4 : i32
    %mul3A_513 = vector.broadcast %mul3A_512 : i32 to vector<16xi32>
    %mul3A_514 = arith.muli %add3A_511, %mul3A_513 : vector<16xi32>
    %add3A_515 = arith.constant 2 : i32
    %add3A_516 = vector.broadcast %add3A_515 : i32 to vector<16xi32>
    %add3A_517 = arith.addi %mul3A_514, %add3A_516 : vector<16xi32>
    tpu.vector_store_idx %arg5[%add3A_517], %get3A_508 : memref<1024xi32, #tpu.memory_space<vmem>>[vector<16xi32>], vector<16xi32>,
    %get3A_518 = arith.constant 2 : i32
    %get3A_519 = arith.index_cast %get3A_518 : i32 to index
    %get3A_520 = arith.constant 48 : index
    %get3A_521 = tpu.vector_load %arg6[%get3A_519, %get3A_520] {strides = array<i32>} : memref<4x256xi32, #tpu.memory_space<vmem>>, vector<16xi32>,
    %add3A_522 = arith.constant 48 : i32
    %add3A_523 = vector.broadcast %add3A_522 : i32 to vector<16xi32>
    %add3A_524 = arith.addi %iota3A, %add3A_523 : vector<16xi32>
    %mul3A_525 = arith.constant 4 : i32
    %mul3A_526 = vector.broadcast %mul3A_525 : i32 to vector<16xi32>
    %mul3A_527 = arith.muli %add3A_524, %mul3A_526 : vector<16xi32>
    %add3A_528 = arith.constant 2 : i32
    %add3A_529 = vector.broadcast %add3A_528 : i32 to vector<16xi32>
    %add3A_530 = arith.addi %mul3A_527, %add3A_529 : vector<16xi32>
    tpu.vector_store_idx %arg5[%add3A_530], %get3A_521 : memref<1024xi32, #tpu.memory_space<vmem>>[vector<16xi32>], vector<16xi32>,
    %get3A_531 = arith.constant 2 : i32
    %get3A_532 = arith.index_cast %get3A_531 : i32 to index
    %get3A_533 = arith.constant 64 : index
    %get3A_534 = tpu.vector_load %arg6[%get3A_532, %get3A_533] {strides = array<i32>} : memref<4x256xi32, #tpu.memory_space<vmem>>, vector<16xi32>,
    %add3A_535 = arith.constant 64 : i32
    %add3A_536 = vector.broadcast %add3A_535 : i32 to vector<16xi32>
    %add3A_537 = arith.addi %iota3A, %add3A_536 : vector<16xi32>
    %mul3A_538 = arith.constant 4 : i32
    %mul3A_539 = vector.broadcast %mul3A_538 : i32 to vector<16xi32>
    %mul3A_540 = arith.muli %add3A_537, %mul3A_539 : vector<16xi32>
    %add3A_541 = arith.constant 2 : i32
    %add3A_542 = vector.broadcast %add3A_541 : i32 to vector<16xi32>
    %add3A_543 = arith.addi %mul3A_540, %add3A_542 : vector<16xi32>
    tpu.vector_store_idx %arg5[%add3A_543], %get3A_534 : memref<1024xi32, #tpu.memory_space<vmem>>[vector<16xi32>], vector<16xi32>,
    %get3A_544 = arith.constant 2 : i32
    %get3A_545 = arith.index_cast %get3A_544 : i32 to index
    %get3A_546 = arith.constant 80 : index
    %get3A_547 = tpu.vector_load %arg6[%get3A_545, %get3A_546] {strides = array<i32>} : memref<4x256xi32, #tpu.memory_space<vmem>>, vector<16xi32>,
    %add3A_548 = arith.constant 80 : i32
    %add3A_549 = vector.broadcast %add3A_548 : i32 to vector<16xi32>
    %add3A_550 = arith.addi %iota3A, %add3A_549 : vector<16xi32>
    %mul3A_551 = arith.constant 4 : i32
    %mul3A_552 = vector.broadcast %mul3A_551 : i32 to vector<16xi32>
    %mul3A_553 = arith.muli %add3A_550, %mul3A_552 : vector<16xi32>
    %add3A_554 = arith.constant 2 : i32
    %add3A_555 = vector.broadcast %add3A_554 : i32 to vector<16xi32>
    %add3A_556 = arith.addi %mul3A_553, %add3A_555 : vector<16xi32>
    tpu.vector_store_idx %arg5[%add3A_556], %get3A_547 : memref<1024xi32, #tpu.memory_space<vmem>>[vector<16xi32>], vector<16xi32>,
    %get3A_557 = arith.constant 2 : i32
    %get3A_558 = arith.index_cast %get3A_557 : i32 to index
    %get3A_559 = arith.constant 96 : index
    %get3A_560 = tpu.vector_load %arg6[%get3A_558, %get3A_559] {strides = array<i32>} : memref<4x256xi32, #tpu.memory_space<vmem>>, vector<16xi32>,
    %add3A_561 = arith.constant 96 : i32
    %add3A_562 = vector.broadcast %add3A_561 : i32 to vector<16xi32>
    %add3A_563 = arith.addi %iota3A, %add3A_562 : vector<16xi32>
    %mul3A_564 = arith.constant 4 : i32
    %mul3A_565 = vector.broadcast %mul3A_564 : i32 to vector<16xi32>
    %mul3A_566 = arith.muli %add3A_563, %mul3A_565 : vector<16xi32>
    %add3A_567 = arith.constant 2 : i32
    %add3A_568 = vector.broadcast %add3A_567 : i32 to vector<16xi32>
    %add3A_569 = arith.addi %mul3A_566, %add3A_568 : vector<16xi32>
    tpu.vector_store_idx %arg5[%add3A_569], %get3A_560 : memref<1024xi32, #tpu.memory_space<vmem>>[vector<16xi32>], vector<16xi32>,
    %get3A_570 = arith.constant 2 : i32
    %get3A_571 = arith.index_cast %get3A_570 : i32 to index
    %get3A_572 = arith.constant 112 : index
    %get3A_573 = tpu.vector_load %arg6[%get3A_571, %get3A_572] {strides = array<i32>} : memref<4x256xi32, #tpu.memory_space<vmem>>, vector<16xi32>,
    %add3A_574 = arith.constant 112 : i32
    %add3A_575 = vector.broadcast %add3A_574 : i32 to vector<16xi32>
    %add3A_576 = arith.addi %iota3A, %add3A_575 : vector<16xi32>
    %mul3A_577 = arith.constant 4 : i32
    %mul3A_578 = vector.broadcast %mul3A_577 : i32 to vector<16xi32>
    %mul3A_579 = arith.muli %add3A_576, %mul3A_578 : vector<16xi32>
    %add3A_580 = arith.constant 2 : i32
    %add3A_581 = vector.broadcast %add3A_580 : i32 to vector<16xi32>
    %add3A_582 = arith.addi %mul3A_579, %add3A_581 : vector<16xi32>
    tpu.vector_store_idx %arg5[%add3A_582], %get3A_573 : memref<1024xi32, #tpu.memory_space<vmem>>[vector<16xi32>], vector<16xi32>,
    %get3A_583 = arith.constant 2 : i32
    %get3A_584 = arith.index_cast %get3A_583 : i32 to index
    %get3A_585 = arith.constant 128 : index
    %get3A_586 = tpu.vector_load %arg6[%get3A_584, %get3A_585] {strides = array<i32>} : memref<4x256xi32, #tpu.memory_space<vmem>>, vector<16xi32>,
    %add3A_587 = arith.constant 128 : i32
    %add3A_588 = vector.broadcast %add3A_587 : i32 to vector<16xi32>
    %add3A_589 = arith.addi %iota3A, %add3A_588 : vector<16xi32>
    %mul3A_590 = arith.constant 4 : i32
    %mul3A_591 = vector.broadcast %mul3A_590 : i32 to vector<16xi32>
    %mul3A_592 = arith.muli %add3A_589, %mul3A_591 : vector<16xi32>
    %add3A_593 = arith.constant 2 : i32
    %add3A_594 = vector.broadcast %add3A_593 : i32 to vector<16xi32>
    %add3A_595 = arith.addi %mul3A_592, %add3A_594 : vector<16xi32>
    tpu.vector_store_idx %arg5[%add3A_595], %get3A_586 : memref<1024xi32, #tpu.memory_space<vmem>>[vector<16xi32>], vector<16xi32>,
    %get3A_596 = arith.constant 2 : i32
    %get3A_597 = arith.index_cast %get3A_596 : i32 to index
    %get3A_598 = arith.constant 144 : index
    %get3A_599 = tpu.vector_load %arg6[%get3A_597, %get3A_598] {strides = array<i32>} : memref<4x256xi32, #tpu.memory_space<vmem>>, vector<16xi32>,
    %add3A_600 = arith.constant 144 : i32
    %add3A_601 = vector.broadcast %add3A_600 : i32 to vector<16xi32>
    %add3A_602 = arith.addi %iota3A, %add3A_601 : vector<16xi32>
    %mul3A_603 = arith.constant 4 : i32
    %mul3A_604 = vector.broadcast %mul3A_603 : i32 to vector<16xi32>
    %mul3A_605 = arith.muli %add3A_602, %mul3A_604 : vector<16xi32>
    %add3A_606 = arith.constant 2 : i32
    %add3A_607 = vector.broadcast %add3A_606 : i32 to vector<16xi32>
    %add3A_608 = arith.addi %mul3A_605, %add3A_607 : vector<16xi32>
    tpu.vector_store_idx %arg5[%add3A_608], %get3A_599 : memref<1024xi32, #tpu.memory_space<vmem>>[vector<16xi32>], vector<16xi32>,
    %get3A_609 = arith.constant 2 : i32
    %get3A_610 = arith.index_cast %get3A_609 : i32 to index
    %get3A_611 = arith.constant 160 : index
    %get3A_612 = tpu.vector_load %arg6[%get3A_610, %get3A_611] {strides = array<i32>} : memref<4x256xi32, #tpu.memory_space<vmem>>, vector<16xi32>,
    %add3A_613 = arith.constant 160 : i32
    %add3A_614 = vector.broadcast %add3A_613 : i32 to vector<16xi32>
    %add3A_615 = arith.addi %iota3A, %add3A_614 : vector<16xi32>
    %mul3A_616 = arith.constant 4 : i32
    %mul3A_617 = vector.broadcast %mul3A_616 : i32 to vector<16xi32>
    %mul3A_618 = arith.muli %add3A_615, %mul3A_617 : vector<16xi32>
    %add3A_619 = arith.constant 2 : i32
    %add3A_620 = vector.broadcast %add3A_619 : i32 to vector<16xi32>
    %add3A_621 = arith.addi %mul3A_618, %add3A_620 : vector<16xi32>
    tpu.vector_store_idx %arg5[%add3A_621], %get3A_612 : memref<1024xi32, #tpu.memory_space<vmem>>[vector<16xi32>], vector<16xi32>,
    %get3A_622 = arith.constant 2 : i32
    %get3A_623 = arith.index_cast %get3A_622 : i32 to index
    %get3A_624 = arith.constant 176 : index
    %get3A_625 = tpu.vector_load %arg6[%get3A_623, %get3A_624] {strides = array<i32>} : memref<4x256xi32, #tpu.memory_space<vmem>>, vector<16xi32>,
    %add3A_626 = arith.constant 176 : i32
    %add3A_627 = vector.broadcast %add3A_626 : i32 to vector<16xi32>
    %add3A_628 = arith.addi %iota3A, %add3A_627 : vector<16xi32>
    %mul3A_629 = arith.constant 4 : i32
    %mul3A_630 = vector.broadcast %mul3A_629 : i32 to vector<16xi32>
    %mul3A_631 = arith.muli %add3A_628, %mul3A_630 : vector<16xi32>
    %add3A_632 = arith.constant 2 : i32
    %add3A_633 = vector.broadcast %add3A_632 : i32 to vector<16xi32>
    %add3A_634 = arith.addi %mul3A_631, %add3A_633 : vector<16xi32>
    tpu.vector_store_idx %arg5[%add3A_634], %get3A_625 : memref<1024xi32, #tpu.memory_space<vmem>>[vector<16xi32>], vector<16xi32>,
    %get3A_635 = arith.constant 2 : i32
    %get3A_636 = arith.index_cast %get3A_635 : i32 to index
    %get3A_637 = arith.constant 192 : index
    %get3A_638 = tpu.vector_load %arg6[%get3A_636, %get3A_637] {strides = array<i32>} : memref<4x256xi32, #tpu.memory_space<vmem>>, vector<16xi32>,
    %add3A_639 = arith.constant 192 : i32
    %add3A_640 = vector.broadcast %add3A_639 : i32 to vector<16xi32>
    %add3A_641 = arith.addi %iota3A, %add3A_640 : vector<16xi32>
    %mul3A_642 = arith.constant 4 : i32
    %mul3A_643 = vector.broadcast %mul3A_642 : i32 to vector<16xi32>
    %mul3A_644 = arith.muli %add3A_641, %mul3A_643 : vector<16xi32>
    %add3A_645 = arith.constant 2 : i32
    %add3A_646 = vector.broadcast %add3A_645 : i32 to vector<16xi32>
    %add3A_647 = arith.addi %mul3A_644, %add3A_646 : vector<16xi32>
    tpu.vector_store_idx %arg5[%add3A_647], %get3A_638 : memref<1024xi32, #tpu.memory_space<vmem>>[vector<16xi32>], vector<16xi32>,
    %get3A_648 = arith.constant 2 : i32
    %get3A_649 = arith.index_cast %get3A_648 : i32 to index
    %get3A_650 = arith.constant 208 : index
    %get3A_651 = tpu.vector_load %arg6[%get3A_649, %get3A_650] {strides = array<i32>} : memref<4x256xi32, #tpu.memory_space<vmem>>, vector<16xi32>,
    %add3A_652 = arith.constant 208 : i32
    %add3A_653 = vector.broadcast %add3A_652 : i32 to vector<16xi32>
    %add3A_654 = arith.addi %iota3A, %add3A_653 : vector<16xi32>
    %mul3A_655 = arith.constant 4 : i32
    %mul3A_656 = vector.broadcast %mul3A_655 : i32 to vector<16xi32>
    %mul3A_657 = arith.muli %add3A_654, %mul3A_656 : vector<16xi32>
    %add3A_658 = arith.constant 2 : i32
    %add3A_659 = vector.broadcast %add3A_658 : i32 to vector<16xi32>
    %add3A_660 = arith.addi %mul3A_657, %add3A_659 : vector<16xi32>
    tpu.vector_store_idx %arg5[%add3A_660], %get3A_651 : memref<1024xi32, #tpu.memory_space<vmem>>[vector<16xi32>], vector<16xi32>,
    %get3A_661 = arith.constant 2 : i32
    %get3A_662 = arith.index_cast %get3A_661 : i32 to index
    %get3A_663 = arith.constant 224 : index
    %get3A_664 = tpu.vector_load %arg6[%get3A_662, %get3A_663] {strides = array<i32>} : memref<4x256xi32, #tpu.memory_space<vmem>>, vector<16xi32>,
    %add3A_665 = arith.constant 224 : i32
    %add3A_666 = vector.broadcast %add3A_665 : i32 to vector<16xi32>
    %add3A_667 = arith.addi %iota3A, %add3A_666 : vector<16xi32>
    %mul3A_668 = arith.constant 4 : i32
    %mul3A_669 = vector.broadcast %mul3A_668 : i32 to vector<16xi32>
    %mul3A_670 = arith.muli %add3A_667, %mul3A_669 : vector<16xi32>
    %add3A_671 = arith.constant 2 : i32
    %add3A_672 = vector.broadcast %add3A_671 : i32 to vector<16xi32>
    %add3A_673 = arith.addi %mul3A_670, %add3A_672 : vector<16xi32>
    tpu.vector_store_idx %arg5[%add3A_673], %get3A_664 : memref<1024xi32, #tpu.memory_space<vmem>>[vector<16xi32>], vector<16xi32>,
    %get3A_674 = arith.constant 2 : i32
    %get3A_675 = arith.index_cast %get3A_674 : i32 to index
    %get3A_676 = arith.constant 240 : index
    %get3A_677 = tpu.vector_load %arg6[%get3A_675, %get3A_676] {strides = array<i32>} : memref<4x256xi32, #tpu.memory_space<vmem>>, vector<16xi32>,
    %add3A_678 = arith.constant 240 : i32
    %add3A_679 = vector.broadcast %add3A_678 : i32 to vector<16xi32>
    %add3A_680 = arith.addi %iota3A, %add3A_679 : vector<16xi32>
    %mul3A_681 = arith.constant 4 : i32
    %mul3A_682 = vector.broadcast %mul3A_681 : i32 to vector<16xi32>
    %mul3A_683 = arith.muli %add3A_680, %mul3A_682 : vector<16xi32>
    %add3A_684 = arith.constant 2 : i32
    %add3A_685 = vector.broadcast %add3A_684 : i32 to vector<16xi32>
    %add3A_686 = arith.addi %mul3A_683, %add3A_685 : vector<16xi32>
    tpu.vector_store_idx %arg5[%add3A_686], %get3A_677 : memref<1024xi32, #tpu.memory_space<vmem>>[vector<16xi32>], vector<16xi32>,
    %get3A_687 = arith.constant 3 : i32
    %get3A_688 = arith.index_cast %get3A_687 : i32 to index
    %get3A_689 = arith.constant 0 : index
    %get3A_690 = tpu.vector_load %arg6[%get3A_688, %get3A_689] {strides = array<i32>} : memref<4x256xi32, #tpu.memory_space<vmem>>, vector<16xi32>,
    %add3A_691 = arith.constant 0 : i32
    %add3A_692 = vector.broadcast %add3A_691 : i32 to vector<16xi32>
    %add3A_693 = arith.addi %iota3A, %add3A_692 : vector<16xi32>
    %mul3A_694 = arith.constant 4 : i32
    %mul3A_695 = vector.broadcast %mul3A_694 : i32 to vector<16xi32>
    %mul3A_696 = arith.muli %add3A_693, %mul3A_695 : vector<16xi32>
    %add3A_697 = arith.constant 3 : i32
    %add3A_698 = vector.broadcast %add3A_697 : i32 to vector<16xi32>
    %add3A_699 = arith.addi %mul3A_696, %add3A_698 : vector<16xi32>
    tpu.vector_store_idx %arg5[%add3A_699], %get3A_690 : memref<1024xi32, #tpu.memory_space<vmem>>[vector<16xi32>], vector<16xi32>,
    %get3A_700 = arith.constant 3 : i32
    %get3A_701 = arith.index_cast %get3A_700 : i32 to index
    %get3A_702 = arith.constant 16 : index
    %get3A_703 = tpu.vector_load %arg6[%get3A_701, %get3A_702] {strides = array<i32>} : memref<4x256xi32, #tpu.memory_space<vmem>>, vector<16xi32>,
    %add3A_704 = arith.constant 16 : i32
    %add3A_705 = vector.broadcast %add3A_704 : i32 to vector<16xi32>
    %add3A_706 = arith.addi %iota3A, %add3A_705 : vector<16xi32>
    %mul3A_707 = arith.constant 4 : i32
    %mul3A_708 = vector.broadcast %mul3A_707 : i32 to vector<16xi32>
    %mul3A_709 = arith.muli %add3A_706, %mul3A_708 : vector<16xi32>
    %add3A_710 = arith.constant 3 : i32
    %add3A_711 = vector.broadcast %add3A_710 : i32 to vector<16xi32>
    %add3A_712 = arith.addi %mul3A_709, %add3A_711 : vector<16xi32>
    tpu.vector_store_idx %arg5[%add3A_712], %get3A_703 : memref<1024xi32, #tpu.memory_space<vmem>>[vector<16xi32>], vector<16xi32>,
    %get3A_713 = arith.constant 3 : i32
    %get3A_714 = arith.index_cast %get3A_713 : i32 to index
    %get3A_715 = arith.constant 32 : index
    %get3A_716 = tpu.vector_load %arg6[%get3A_714, %get3A_715] {strides = array<i32>} : memref<4x256xi32, #tpu.memory_space<vmem>>, vector<16xi32>,
    %add3A_717 = arith.constant 32 : i32
    %add3A_718 = vector.broadcast %add3A_717 : i32 to vector<16xi32>
    %add3A_719 = arith.addi %iota3A, %add3A_718 : vector<16xi32>
    %mul3A_720 = arith.constant 4 : i32
    %mul3A_721 = vector.broadcast %mul3A_720 : i32 to vector<16xi32>
    %mul3A_722 = arith.muli %add3A_719, %mul3A_721 : vector<16xi32>
    %add3A_723 = arith.constant 3 : i32
    %add3A_724 = vector.broadcast %add3A_723 : i32 to vector<16xi32>
    %add3A_725 = arith.addi %mul3A_722, %add3A_724 : vector<16xi32>
    tpu.vector_store_idx %arg5[%add3A_725], %get3A_716 : memref<1024xi32, #tpu.memory_space<vmem>>[vector<16xi32>], vector<16xi32>,
    %get3A_726 = arith.constant 3 : i32
    %get3A_727 = arith.index_cast %get3A_726 : i32 to index
    %get3A_728 = arith.constant 48 : index
    %get3A_729 = tpu.vector_load %arg6[%get3A_727, %get3A_728] {strides = array<i32>} : memref<4x256xi32, #tpu.memory_space<vmem>>, vector<16xi32>,
    %add3A_730 = arith.constant 48 : i32
    %add3A_731 = vector.broadcast %add3A_730 : i32 to vector<16xi32>
    %add3A_732 = arith.addi %iota3A, %add3A_731 : vector<16xi32>
    %mul3A_733 = arith.constant 4 : i32
    %mul3A_734 = vector.broadcast %mul3A_733 : i32 to vector<16xi32>
    %mul3A_735 = arith.muli %add3A_732, %mul3A_734 : vector<16xi32>
    %add3A_736 = arith.constant 3 : i32
    %add3A_737 = vector.broadcast %add3A_736 : i32 to vector<16xi32>
    %add3A_738 = arith.addi %mul3A_735, %add3A_737 : vector<16xi32>
    tpu.vector_store_idx %arg5[%add3A_738], %get3A_729 : memref<1024xi32, #tpu.memory_space<vmem>>[vector<16xi32>], vector<16xi32>,
    %get3A_739 = arith.constant 3 : i32
    %get3A_740 = arith.index_cast %get3A_739 : i32 to index
    %get3A_741 = arith.constant 64 : index
    %get3A_742 = tpu.vector_load %arg6[%get3A_740, %get3A_741] {strides = array<i32>} : memref<4x256xi32, #tpu.memory_space<vmem>>, vector<16xi32>,
    %add3A_743 = arith.constant 64 : i32
    %add3A_744 = vector.broadcast %add3A_743 : i32 to vector<16xi32>
    %add3A_745 = arith.addi %iota3A, %add3A_744 : vector<16xi32>
    %mul3A_746 = arith.constant 4 : i32
    %mul3A_747 = vector.broadcast %mul3A_746 : i32 to vector<16xi32>
    %mul3A_748 = arith.muli %add3A_745, %mul3A_747 : vector<16xi32>
    %add3A_749 = arith.constant 3 : i32
    %add3A_750 = vector.broadcast %add3A_749 : i32 to vector<16xi32>
    %add3A_751 = arith.addi %mul3A_748, %add3A_750 : vector<16xi32>
    tpu.vector_store_idx %arg5[%add3A_751], %get3A_742 : memref<1024xi32, #tpu.memory_space<vmem>>[vector<16xi32>], vector<16xi32>,
    %get3A_752 = arith.constant 3 : i32
    %get3A_753 = arith.index_cast %get3A_752 : i32 to index
    %get3A_754 = arith.constant 80 : index
    %get3A_755 = tpu.vector_load %arg6[%get3A_753, %get3A_754] {strides = array<i32>} : memref<4x256xi32, #tpu.memory_space<vmem>>, vector<16xi32>,
    %add3A_756 = arith.constant 80 : i32
    %add3A_757 = vector.broadcast %add3A_756 : i32 to vector<16xi32>
    %add3A_758 = arith.addi %iota3A, %add3A_757 : vector<16xi32>
    %mul3A_759 = arith.constant 4 : i32
    %mul3A_760 = vector.broadcast %mul3A_759 : i32 to vector<16xi32>
    %mul3A_761 = arith.muli %add3A_758, %mul3A_760 : vector<16xi32>
    %add3A_762 = arith.constant 3 : i32
    %add3A_763 = vector.broadcast %add3A_762 : i32 to vector<16xi32>
    %add3A_764 = arith.addi %mul3A_761, %add3A_763 : vector<16xi32>
    tpu.vector_store_idx %arg5[%add3A_764], %get3A_755 : memref<1024xi32, #tpu.memory_space<vmem>>[vector<16xi32>], vector<16xi32>,
    %get3A_765 = arith.constant 3 : i32
    %get3A_766 = arith.index_cast %get3A_765 : i32 to index
    %get3A_767 = arith.constant 96 : index
    %get3A_768 = tpu.vector_load %arg6[%get3A_766, %get3A_767] {strides = array<i32>} : memref<4x256xi32, #tpu.memory_space<vmem>>, vector<16xi32>,
    %add3A_769 = arith.constant 96 : i32
    %add3A_770 = vector.broadcast %add3A_769 : i32 to vector<16xi32>
    %add3A_771 = arith.addi %iota3A, %add3A_770 : vector<16xi32>
    %mul3A_772 = arith.constant 4 : i32
    %mul3A_773 = vector.broadcast %mul3A_772 : i32 to vector<16xi32>
    %mul3A_774 = arith.muli %add3A_771, %mul3A_773 : vector<16xi32>
    %add3A_775 = arith.constant 3 : i32
    %add3A_776 = vector.broadcast %add3A_775 : i32 to vector<16xi32>
    %add3A_777 = arith.addi %mul3A_774, %add3A_776 : vector<16xi32>
    tpu.vector_store_idx %arg5[%add3A_777], %get3A_768 : memref<1024xi32, #tpu.memory_space<vmem>>[vector<16xi32>], vector<16xi32>,
    %get3A_778 = arith.constant 3 : i32
    %get3A_779 = arith.index_cast %get3A_778 : i32 to index
    %get3A_780 = arith.constant 112 : index
    %get3A_781 = tpu.vector_load %arg6[%get3A_779, %get3A_780] {strides = array<i32>} : memref<4x256xi32, #tpu.memory_space<vmem>>, vector<16xi32>,
    %add3A_782 = arith.constant 112 : i32
    %add3A_783 = vector.broadcast %add3A_782 : i32 to vector<16xi32>
    %add3A_784 = arith.addi %iota3A, %add3A_783 : vector<16xi32>
    %mul3A_785 = arith.constant 4 : i32
    %mul3A_786 = vector.broadcast %mul3A_785 : i32 to vector<16xi32>
    %mul3A_787 = arith.muli %add3A_784, %mul3A_786 : vector<16xi32>
    %add3A_788 = arith.constant 3 : i32
    %add3A_789 = vector.broadcast %add3A_788 : i32 to vector<16xi32>
    %add3A_790 = arith.addi %mul3A_787, %add3A_789 : vector<16xi32>
    tpu.vector_store_idx %arg5[%add3A_790], %get3A_781 : memref<1024xi32, #tpu.memory_space<vmem>>[vector<16xi32>], vector<16xi32>,
    %get3A_791 = arith.constant 3 : i32
    %get3A_792 = arith.index_cast %get3A_791 : i32 to index
    %get3A_793 = arith.constant 128 : index
    %get3A_794 = tpu.vector_load %arg6[%get3A_792, %get3A_793] {strides = array<i32>} : memref<4x256xi32, #tpu.memory_space<vmem>>, vector<16xi32>,
    %add3A_795 = arith.constant 128 : i32
    %add3A_796 = vector.broadcast %add3A_795 : i32 to vector<16xi32>
    %add3A_797 = arith.addi %iota3A, %add3A_796 : vector<16xi32>
    %mul3A_798 = arith.constant 4 : i32
    %mul3A_799 = vector.broadcast %mul3A_798 : i32 to vector<16xi32>
    %mul3A_800 = arith.muli %add3A_797, %mul3A_799 : vector<16xi32>
    %add3A_801 = arith.constant 3 : i32
    %add3A_802 = vector.broadcast %add3A_801 : i32 to vector<16xi32>
    %add3A_803 = arith.addi %mul3A_800, %add3A_802 : vector<16xi32>
    tpu.vector_store_idx %arg5[%add3A_803], %get3A_794 : memref<1024xi32, #tpu.memory_space<vmem>>[vector<16xi32>], vector<16xi32>,
    %get3A_804 = arith.constant 3 : i32
    %get3A_805 = arith.index_cast %get3A_804 : i32 to index
    %get3A_806 = arith.constant 144 : index
    %get3A_807 = tpu.vector_load %arg6[%get3A_805, %get3A_806] {strides = array<i32>} : memref<4x256xi32, #tpu.memory_space<vmem>>, vector<16xi32>,
    %add3A_808 = arith.constant 144 : i32
    %add3A_809 = vector.broadcast %add3A_808 : i32 to vector<16xi32>
    %add3A_810 = arith.addi %iota3A, %add3A_809 : vector<16xi32>
    %mul3A_811 = arith.constant 4 : i32
    %mul3A_812 = vector.broadcast %mul3A_811 : i32 to vector<16xi32>
    %mul3A_813 = arith.muli %add3A_810, %mul3A_812 : vector<16xi32>
    %add3A_814 = arith.constant 3 : i32
    %add3A_815 = vector.broadcast %add3A_814 : i32 to vector<16xi32>
    %add3A_816 = arith.addi %mul3A_813, %add3A_815 : vector<16xi32>
    tpu.vector_store_idx %arg5[%add3A_816], %get3A_807 : memref<1024xi32, #tpu.memory_space<vmem>>[vector<16xi32>], vector<16xi32>,
    %get3A_817 = arith.constant 3 : i32
    %get3A_818 = arith.index_cast %get3A_817 : i32 to index
    %get3A_819 = arith.constant 160 : index
    %get3A_820 = tpu.vector_load %arg6[%get3A_818, %get3A_819] {strides = array<i32>} : memref<4x256xi32, #tpu.memory_space<vmem>>, vector<16xi32>,
    %add3A_821 = arith.constant 160 : i32
    %add3A_822 = vector.broadcast %add3A_821 : i32 to vector<16xi32>
    %add3A_823 = arith.addi %iota3A, %add3A_822 : vector<16xi32>
    %mul3A_824 = arith.constant 4 : i32
    %mul3A_825 = vector.broadcast %mul3A_824 : i32 to vector<16xi32>
    %mul3A_826 = arith.muli %add3A_823, %mul3A_825 : vector<16xi32>
    %add3A_827 = arith.constant 3 : i32
    %add3A_828 = vector.broadcast %add3A_827 : i32 to vector<16xi32>
    %add3A_829 = arith.addi %mul3A_826, %add3A_828 : vector<16xi32>
    tpu.vector_store_idx %arg5[%add3A_829], %get3A_820 : memref<1024xi32, #tpu.memory_space<vmem>>[vector<16xi32>], vector<16xi32>,
    %get3A_830 = arith.constant 3 : i32
    %get3A_831 = arith.index_cast %get3A_830 : i32 to index
    %get3A_832 = arith.constant 176 : index
    %get3A_833 = tpu.vector_load %arg6[%get3A_831, %get3A_832] {strides = array<i32>} : memref<4x256xi32, #tpu.memory_space<vmem>>, vector<16xi32>,
    %add3A_834 = arith.constant 176 : i32
    %add3A_835 = vector.broadcast %add3A_834 : i32 to vector<16xi32>
    %add3A_836 = arith.addi %iota3A, %add3A_835 : vector<16xi32>
    %mul3A_837 = arith.constant 4 : i32
    %mul3A_838 = vector.broadcast %mul3A_837 : i32 to vector<16xi32>
    %mul3A_839 = arith.muli %add3A_836, %mul3A_838 : vector<16xi32>
    %add3A_840 = arith.constant 3 : i32
    %add3A_841 = vector.broadcast %add3A_840 : i32 to vector<16xi32>
    %add3A_842 = arith.addi %mul3A_839, %add3A_841 : vector<16xi32>
    tpu.vector_store_idx %arg5[%add3A_842], %get3A_833 : memref<1024xi32, #tpu.memory_space<vmem>>[vector<16xi32>], vector<16xi32>,
    %get3A_843 = arith.constant 3 : i32
    %get3A_844 = arith.index_cast %get3A_843 : i32 to index
    %get3A_845 = arith.constant 192 : index
    %get3A_846 = tpu.vector_load %arg6[%get3A_844, %get3A_845] {strides = array<i32>} : memref<4x256xi32, #tpu.memory_space<vmem>>, vector<16xi32>,
    %add3A_847 = arith.constant 192 : i32
    %add3A_848 = vector.broadcast %add3A_847 : i32 to vector<16xi32>
    %add3A_849 = arith.addi %iota3A, %add3A_848 : vector<16xi32>
    %mul3A_850 = arith.constant 4 : i32
    %mul3A_851 = vector.broadcast %mul3A_850 : i32 to vector<16xi32>
    %mul3A_852 = arith.muli %add3A_849, %mul3A_851 : vector<16xi32>
    %add3A_853 = arith.constant 3 : i32
    %add3A_854 = vector.broadcast %add3A_853 : i32 to vector<16xi32>
    %add3A_855 = arith.addi %mul3A_852, %add3A_854 : vector<16xi32>
    tpu.vector_store_idx %arg5[%add3A_855], %get3A_846 : memref<1024xi32, #tpu.memory_space<vmem>>[vector<16xi32>], vector<16xi32>,
    %get3A_856 = arith.constant 3 : i32
    %get3A_857 = arith.index_cast %get3A_856 : i32 to index
    %get3A_858 = arith.constant 208 : index
    %get3A_859 = tpu.vector_load %arg6[%get3A_857, %get3A_858] {strides = array<i32>} : memref<4x256xi32, #tpu.memory_space<vmem>>, vector<16xi32>,
    %add3A_860 = arith.constant 208 : i32
    %add3A_861 = vector.broadcast %add3A_860 : i32 to vector<16xi32>
    %add3A_862 = arith.addi %iota3A, %add3A_861 : vector<16xi32>
    %mul3A_863 = arith.constant 4 : i32
    %mul3A_864 = vector.broadcast %mul3A_863 : i32 to vector<16xi32>
    %mul3A_865 = arith.muli %add3A_862, %mul3A_864 : vector<16xi32>
    %add3A_866 = arith.constant 3 : i32
    %add3A_867 = vector.broadcast %add3A_866 : i32 to vector<16xi32>
    %add3A_868 = arith.addi %mul3A_865, %add3A_867 : vector<16xi32>
    tpu.vector_store_idx %arg5[%add3A_868], %get3A_859 : memref<1024xi32, #tpu.memory_space<vmem>>[vector<16xi32>], vector<16xi32>,
    %get3A_869 = arith.constant 3 : i32
    %get3A_870 = arith.index_cast %get3A_869 : i32 to index
    %get3A_871 = arith.constant 224 : index
    %get3A_872 = tpu.vector_load %arg6[%get3A_870, %get3A_871] {strides = array<i32>} : memref<4x256xi32, #tpu.memory_space<vmem>>, vector<16xi32>,
    %add3A_873 = arith.constant 224 : i32
    %add3A_874 = vector.broadcast %add3A_873 : i32 to vector<16xi32>
    %add3A_875 = arith.addi %iota3A, %add3A_874 : vector<16xi32>
    %mul3A_876 = arith.constant 4 : i32
    %mul3A_877 = vector.broadcast %mul3A_876 : i32 to vector<16xi32>
    %mul3A_878 = arith.muli %add3A_875, %mul3A_877 : vector<16xi32>
    %add3A_879 = arith.constant 3 : i32
    %add3A_880 = vector.broadcast %add3A_879 : i32 to vector<16xi32>
    %add3A_881 = arith.addi %mul3A_878, %add3A_880 : vector<16xi32>
    tpu.vector_store_idx %arg5[%add3A_881], %get3A_872 : memref<1024xi32, #tpu.memory_space<vmem>>[vector<16xi32>], vector<16xi32>,
    %get3A_882 = arith.constant 3 : i32
    %get3A_883 = arith.index_cast %get3A_882 : i32 to index
    %get3A_884 = arith.constant 240 : index
    %get3A_885 = tpu.vector_load %arg6[%get3A_883, %get3A_884] {strides = array<i32>} : memref<4x256xi32, #tpu.memory_space<vmem>>, vector<16xi32>,
    %add3A_886 = arith.constant 240 : i32
    %add3A_887 = vector.broadcast %add3A_886 : i32 to vector<16xi32>
    %add3A_888 = arith.addi %iota3A, %add3A_887 : vector<16xi32>
    %mul3A_889 = arith.constant 4 : i32
    %mul3A_890 = vector.broadcast %mul3A_889 : i32 to vector<16xi32>
    %mul3A_891 = arith.muli %add3A_888, %mul3A_890 : vector<16xi32>
    %add3A_892 = arith.constant 3 : i32
    %add3A_893 = vector.broadcast %add3A_892 : i32 to vector<16xi32>
    %add3A_894 = arith.addi %mul3A_891, %add3A_893 : vector<16xi32>
    tpu.vector_store_idx %arg5[%add3A_894], %get3A_885 : memref<1024xi32, #tpu.memory_space<vmem>>[vector<16xi32>], vector<16xi32>,
    %dma_start3A = arith.constant 0 : i32
    %dma_start3A_895 = arith.constant 0 : i32
    %dma_start3A_896 = arith.constant 0 : i32
    %dma_start3A_897 = tpu.memref_slice %arg7[%dma_start3A, %dma_start3A_895, %dma_start3A_896] : memref<4x128x32xf32, #tpu.memory_space<vmem>> -> memref<1x128x32xf32, #tpu.memory_space<vmem>>
    %dma_start3A_898 = tpu.memref_squeeze %dma_start3A_897 : memref<1x128x32xf32, #tpu.memory_space<vmem>> -> memref<128x32xf32, #tpu.memory_space<vmem>>
    %dma_start3A_899 = arith.constant 0 : i32
    %dma_start3A_900 = tpu.memref_slice %arg5[%dma_start3A_899] : memref<1024xi32, #tpu.memory_space<vmem>> -> memref<128xi32, #tpu.memory_space<vmem>>
    %dma_start3A_901 = arith.constant 0 : i32
    %dma_start3A_902 = arith.constant 0 : i32
    %dma_start3A_903 = tpu.memref_slice %arg2[%dma_start3A_901, %dma_start3A_902] : memref<1000x32xf32, #tpu.memory_space<hbm>> -> memref<1000x32xf32, #tpu.memory_space<hbm>>
    tpu.enqueue_indirect_dma source(%dma_start3A_903 : memref<1000x32xf32, #tpu.memory_space<hbm>>) target(%dma_start3A_898 : memref<128x32xf32, #tpu.memory_space<vmem>>) offsets(%dma_start3A_900 : memref<128xi32, #tpu.memory_space<vmem>>) semaphore(%arg8 : memref<!tpu.dma_semaphore, #tpu.memory_space<semaphore_mem>>)
    %dma_start3A_904 = arith.constant 1 : i32
    %dma_start3A_905 = arith.constant 0 : i32
    %dma_start3A_906 = arith.constant 0 : i32
    %dma_start3A_907 = tpu.memref_slice %arg7[%dma_start3A_904, %dma_start3A_905, %dma_start3A_906] : memref<4x128x32xf32, #tpu.memory_space<vmem>> -> memref<1x128x32xf32, #tpu.memory_space<vmem>>
    %dma_start3A_908 = tpu.memref_squeeze %dma_start3A_907 : memref<1x128x32xf32, #tpu.memory_space<vmem>> -> memref<128x32xf32, #tpu.memory_space<vmem>>
    %dma_start3A_909 = arith.constant 128 : i32
    %dma_start3A_910 = tpu.memref_slice %arg5[%dma_start3A_909] : memref<1024xi32, #tpu.memory_space<vmem>> -> memref<128xi32, #tpu.memory_space<vmem>>
    %dma_start3A_911 = arith.constant 0 : i32
    %dma_start3A_912 = arith.constant 0 : i32
    %dma_start3A_913 = tpu.memref_slice %arg2[%dma_start3A_911, %dma_start3A_912] : memref<1000x32xf32, #tpu.memory_space<hbm>> -> memref<1000x32xf32, #tpu.memory_space<hbm>>
    tpu.enqueue_indirect_dma source(%dma_start3A_913 : memref<1000x32xf32, #tpu.memory_space<hbm>>) target(%dma_start3A_908 : memref<128x32xf32, #tpu.memory_space<vmem>>) offsets(%dma_start3A_910 : memref<128xi32, #tpu.memory_space<vmem>>) semaphore(%arg9 : memref<!tpu.dma_semaphore, #tpu.memory_space<semaphore_mem>>)
    %dma_start3A_914 = arith.constant 2 : i32
    %dma_start3A_915 = arith.constant 0 : i32
    %dma_start3A_916 = arith.constant 0 : i32
    %dma_start3A_917 = tpu.memref_slice %arg7[%dma_start3A_914, %dma_start3A_915, %dma_start3A_916] : memref<4x128x32xf32, #tpu.memory_space<vmem>> -> memref<1x128x32xf32, #tpu.memory_space<vmem>>
    %dma_start3A_918 = tpu.memref_squeeze %dma_start3A_917 : memref<1x128x32xf32, #tpu.memory_space<vmem>> -> memref<128x32xf32, #tpu.memory_space<vmem>>
    %dma_start3A_919 = arith.constant 256 : i32
    %dma_start3A_920 = tpu.memref_slice %arg5[%dma_start3A_919] : memref<1024xi32, #tpu.memory_space<vmem>> -> memref<128xi32, #tpu.memory_space<vmem>>
    %dma_start3A_921 = arith.constant 0 : i32
    %dma_start3A_922 = arith.constant 0 : i32
    %dma_start3A_923 = tpu.memref_slice %arg2[%dma_start3A_921, %dma_start3A_922] : memref<1000x32xf32, #tpu.memory_space<hbm>> -> memref<1000x32xf32, #tpu.memory_space<hbm>>
    tpu.enqueue_indirect_dma source(%dma_start3A_923 : memref<1000x32xf32, #tpu.memory_space<hbm>>) target(%dma_start3A_918 : memref<128x32xf32, #tpu.memory_space<vmem>>) offsets(%dma_start3A_920 : memref<128xi32, #tpu.memory_space<vmem>>) semaphore(%arg10 : memref<!tpu.dma_semaphore, #tpu.memory_space<semaphore_mem>>)
    %dma_start3A_924 = arith.constant 3 : i32
    %dma_start3A_925 = arith.constant 0 : i32
    %dma_start3A_926 = arith.constant 0 : i32
    %dma_start3A_927 = tpu.memref_slice %arg7[%dma_start3A_924, %dma_start3A_925, %dma_start3A_926] : memref<4x128x32xf32, #tpu.memory_space<vmem>> -> memref<1x128x32xf32, #tpu.memory_space<vmem>>
    %dma_start3A_928 = tpu.memref_squeeze %dma_start3A_927 : memref<1x128x32xf32, #tpu.memory_space<vmem>> -> memref<128x32xf32, #tpu.memory_space<vmem>>
    %dma_start3A_929 = arith.constant 384 : i32
    %dma_start3A_930 = tpu.memref_slice %arg5[%dma_start3A_929] : memref<1024xi32, #tpu.memory_space<vmem>> -> memref<128xi32, #tpu.memory_space<vmem>>
    %dma_start3A_931 = arith.constant 0 : i32
    %dma_start3A_932 = arith.constant 0 : i32
    %dma_start3A_933 = tpu.memref_slice %arg2[%dma_start3A_931, %dma_start3A_932] : memref<1000x32xf32, #tpu.memory_space<hbm>> -> memref<1000x32xf32, #tpu.memory_space<hbm>>
    tpu.enqueue_indirect_dma source(%dma_start3A_933 : memref<1000x32xf32, #tpu.memory_space<hbm>>) target(%dma_start3A_928 : memref<128x32xf32, #tpu.memory_space<vmem>>) offsets(%dma_start3A_930 : memref<128xi32, #tpu.memory_space<vmem>>) semaphore(%arg11 : memref<!tpu.dma_semaphore, #tpu.memory_space<semaphore_mem>>)
    %dma_wait3A = arith.constant 0 : i32
    %dma_wait3A_934 = arith.constant 0 : i32
    %dma_wait3A_935 = arith.constant 0 : i32
    %dma_wait3A_936 = tpu.memref_slice %arg7[%dma_wait3A, %dma_wait3A_934, %dma_wait3A_935] : memref<4x128x32xf32, #tpu.memory_space<vmem>> -> memref<1x128x32xf32, #tpu.memory_space<vmem>>
    %dma_wait3A_937 = tpu.memref_squeeze %dma_wait3A_936 : memref<1x128x32xf32, #tpu.memory_space<vmem>> -> memref<128x32xf32, #tpu.memory_space<vmem>>
    %dma_wait3A_938 = arith.constant 0 : i32
    %dma_wait3A_939 = tpu.memref_slice %arg5[%dma_wait3A_938] : memref<1024xi32, #tpu.memory_space<vmem>> -> memref<128xi32, #tpu.memory_space<vmem>>
    %dma_wait3A_940 = arith.constant 0 : i32
    %dma_wait3A_941 = arith.constant 0 : i32
    %dma_wait3A_942 = tpu.memref_slice %arg2[%dma_wait3A_940, %dma_wait3A_941] : memref<1000x32xf32, #tpu.memory_space<hbm>> -> memref<1000x32xf32, #tpu.memory_space<hbm>>
    tpu.wait_indirect_dma semaphore(%arg8 : memref<!tpu.dma_semaphore, #tpu.memory_space<semaphore_mem>>) src(%dma_wait3A_942 : memref<1000x32xf32, #tpu.memory_space<hbm>>) dst(%dma_wait3A_937 : memref<128x32xf32, #tpu.memory_space<vmem>>)
    %add3A_943 = arith.constant 0 : i32
    %add3A_944 = arith.addi %mul3A_2, %add3A_943 : i32
    %dma_start3A_945 = arith.constant 0 : i32
    %dma_start3A_946 = arith.constant 0 : i32
    %dma_start3A_947 = arith.constant 0 : i32
    %dma_start3A_948 = tpu.memref_slice %arg7[%dma_start3A_945, %dma_start3A_946, %dma_start3A_947] : memref<4x128x32xf32, #tpu.memory_space<vmem>> -> memref<1x128x32xf32, #tpu.memory_space<vmem>>
    %dma_start3A_949 = tpu.memref_squeeze %dma_start3A_948 : memref<1x128x32xf32, #tpu.memory_space<vmem>> -> memref<128x32xf32, #tpu.memory_space<vmem>>
    %dma_start3A_950 = arith.constant 0 : i32
    %dma_start3A_951 = tpu.memref_slice %arg4[%add3A_944, %dma_start3A_950] : memref<32768x32xf32, #tpu.memory_space<hbm>> -> memref<128x32xf32, #tpu.memory_space<hbm>>
    %dma_start3A_952 = arith.constant 0 : i32
    %dma_start3A_953 = tpu.memref_slice %arg4[%add3A_944, %dma_start3A_952] : memref<32768x32xf32, #tpu.memory_space<hbm>> -> memref<128x32xf32, #tpu.memory_space<hbm>>
    %dma_start3A_954 = arith.constant 0 : i32
    %dma_start3A_955 = arith.constant 0 : i32
    %dma_start3A_956 = tpu.memref_slice %arg7[%dma_start3A_945, %dma_start3A_954, %dma_start3A_955] : memref<4x128x32xf32, #tpu.memory_space<vmem>> -> memref<1x128x32xf32, #tpu.memory_space<vmem>>
    %dma_start3A_957 = tpu.memref_squeeze %dma_start3A_956 : memref<1x128x32xf32, #tpu.memory_space<vmem>> -> memref<128x32xf32, #tpu.memory_space<vmem>>
    tpu.enqueue_dma source(%dma_start3A_957 : memref<128x32xf32, #tpu.memory_space<vmem>>) target(%dma_start3A_953 : memref<128x32xf32, #tpu.memory_space<hbm>>) target_semaphore(%arg12 : memref<!tpu.dma_semaphore, #tpu.memory_space<semaphore_mem>>)
    %dma_wait3A_958 = arith.constant 0 : i32
    %dma_wait3A_959 = arith.constant 0 : i32
    %dma_wait3A_960 = arith.constant 0 : i32
    %dma_wait3A_961 = tpu.memref_slice %arg7[%dma_wait3A_958, %dma_wait3A_959, %dma_wait3A_960] : memref<4x128x32xf32, #tpu.memory_space<vmem>> -> memref<1x128x32xf32, #tpu.memory_space<vmem>>
    %dma_wait3A_962 = tpu.memref_squeeze %dma_wait3A_961 : memref<1x128x32xf32, #tpu.memory_space<vmem>> -> memref<128x32xf32, #tpu.memory_space<vmem>>
    %dma_wait3A_963 = arith.constant 0 : i32
    %dma_wait3A_964 = tpu.memref_slice %arg4[%add3A_944, %dma_wait3A_963] : memref<32768x32xf32, #tpu.memory_space<hbm>> -> memref<128x32xf32, #tpu.memory_space<hbm>>
    %dma_wait3A_965 = arith.constant 0 : i32
    %dma_wait3A_966 = tpu.memref_slice %arg4[%add3A_944, %dma_wait3A_965] : memref<32768x32xf32, #tpu.memory_space<hbm>> -> memref<128x32xf32, #tpu.memory_space<hbm>>
    %dma_wait3A_967 = arith.constant 0 : i32
    %dma_wait3A_968 = arith.constant 0 : i32
    %dma_wait3A_969 = tpu.memref_slice %arg7[%dma_wait3A_958, %dma_wait3A_967, %dma_wait3A_968] : memref<4x128x32xf32, #tpu.memory_space<vmem>> -> memref<1x128x32xf32, #tpu.memory_space<vmem>>
    %dma_wait3A_970 = tpu.memref_squeeze %dma_wait3A_969 : memref<1x128x32xf32, #tpu.memory_space<vmem>> -> memref<128x32xf32, #tpu.memory_space<vmem>>
    tpu.wait_dma2 semaphore(%arg12 : memref<!tpu.dma_semaphore, #tpu.memory_space<semaphore_mem>>) src(%dma_wait3A_970 : memref<128x32xf32, #tpu.memory_space<vmem>>) dst(%dma_wait3A_966 : memref<128x32xf32, #tpu.memory_space<hbm>>)
    %dma_start3A_971 = arith.constant 0 : i32
    %dma_start3A_972 = arith.constant 0 : i32
    %dma_start3A_973 = arith.constant 0 : i32
    %dma_start3A_974 = tpu.memref_slice %arg7[%dma_start3A_971, %dma_start3A_972, %dma_start3A_973] : memref<4x128x32xf32, #tpu.memory_space<vmem>> -> memref<1x128x32xf32, #tpu.memory_space<vmem>>
    %dma_start3A_975 = tpu.memref_squeeze %dma_start3A_974 : memref<1x128x32xf32, #tpu.memory_space<vmem>> -> memref<128x32xf32, #tpu.memory_space<vmem>>
    %dma_start3A_976 = arith.constant 512 : i32
    %dma_start3A_977 = tpu.memref_slice %arg5[%dma_start3A_976] : memref<1024xi32, #tpu.memory_space<vmem>> -> memref<128xi32, #tpu.memory_space<vmem>>
    %dma_start3A_978 = arith.constant 0 : i32
    %dma_start3A_979 = arith.constant 0 : i32
    %dma_start3A_980 = tpu.memref_slice %arg2[%dma_start3A_978, %dma_start3A_979] : memref<1000x32xf32, #tpu.memory_space<hbm>> -> memref<1000x32xf32, #tpu.memory_space<hbm>>
    tpu.enqueue_indirect_dma source(%dma_start3A_980 : memref<1000x32xf32, #tpu.memory_space<hbm>>) target(%dma_start3A_975 : memref<128x32xf32, #tpu.memory_space<vmem>>) offsets(%dma_start3A_977 : memref<128xi32, #tpu.memory_space<vmem>>) semaphore(%arg8 : memref<!tpu.dma_semaphore, #tpu.memory_space<semaphore_mem>>)
    %dma_wait3A_981 = arith.constant 1 : i32
    %dma_wait3A_982 = arith.constant 0 : i32
    %dma_wait3A_983 = arith.constant 0 : i32
    %dma_wait3A_984 = tpu.memref_slice %arg7[%dma_wait3A_981, %dma_wait3A_982, %dma_wait3A_983] : memref<4x128x32xf32, #tpu.memory_space<vmem>> -> memref<1x128x32xf32, #tpu.memory_space<vmem>>
    %dma_wait3A_985 = tpu.memref_squeeze %dma_wait3A_984 : memref<1x128x32xf32, #tpu.memory_space<vmem>> -> memref<128x32xf32, #tpu.memory_space<vmem>>
    %dma_wait3A_986 = arith.constant 128 : i32
    %dma_wait3A_987 = tpu.memref_slice %arg5[%dma_wait3A_986] : memref<1024xi32, #tpu.memory_space<vmem>> -> memref<128xi32, #tpu.memory_space<vmem>>
    %dma_wait3A_988 = arith.constant 0 : i32
    %dma_wait3A_989 = arith.constant 0 : i32
    %dma_wait3A_990 = tpu.memref_slice %arg2[%dma_wait3A_988, %dma_wait3A_989] : memref<1000x32xf32, #tpu.memory_space<hbm>> -> memref<1000x32xf32, #tpu.memory_space<hbm>>
    tpu.wait_indirect_dma semaphore(%arg9 : memref<!tpu.dma_semaphore, #tpu.memory_space<semaphore_mem>>) src(%dma_wait3A_990 : memref<1000x32xf32, #tpu.memory_space<hbm>>) dst(%dma_wait3A_985 : memref<128x32xf32, #tpu.memory_space<vmem>>)
    %add3A_991 = arith.constant 128 : i32
    %add3A_992 = arith.addi %mul3A_2, %add3A_991 : i32
    %dma_start3A_993 = arith.constant 1 : i32
    %dma_start3A_994 = arith.constant 0 : i32
    %dma_start3A_995 = arith.constant 0 : i32
    %dma_start3A_996 = tpu.memref_slice %arg7[%dma_start3A_993, %dma_start3A_994, %dma_start3A_995] : memref<4x128x32xf32, #tpu.memory_space<vmem>> -> memref<1x128x32xf32, #tpu.memory_space<vmem>>
    %dma_start3A_997 = tpu.memref_squeeze %dma_start3A_996 : memref<1x128x32xf32, #tpu.memory_space<vmem>> -> memref<128x32xf32, #tpu.memory_space<vmem>>
    %dma_start3A_998 = arith.constant 0 : i32
    %dma_start3A_999 = tpu.memref_slice %arg4[%add3A_992, %dma_start3A_998] : memref<32768x32xf32, #tpu.memory_space<hbm>> -> memref<128x32xf32, #tpu.memory_space<hbm>>
    %dma_start3A_1000 = arith.constant 0 : i32
    %dma_start3A_1001 = tpu.memref_slice %arg4[%add3A_992, %dma_start3A_1000] : memref<32768x32xf32, #tpu.memory_space<hbm>> -> memref<128x32xf32, #tpu.memory_space<hbm>>
    %dma_start3A_1002 = arith.constant 0 : i32
    %dma_start3A_1003 = arith.constant 0 : i32
    %dma_start3A_1004 = tpu.memref_slice %arg7[%dma_start3A_993, %dma_start3A_1002, %dma_start3A_1003] : memref<4x128x32xf32, #tpu.memory_space<vmem>> -> memref<1x128x32xf32, #tpu.memory_space<vmem>>
    %dma_start3A_1005 = tpu.memref_squeeze %dma_start3A_1004 : memref<1x128x32xf32, #tpu.memory_space<vmem>> -> memref<128x32xf32, #tpu.memory_space<vmem>>
    tpu.enqueue_dma source(%dma_start3A_1005 : memref<128x32xf32, #tpu.memory_space<vmem>>) target(%dma_start3A_1001 : memref<128x32xf32, #tpu.memory_space<hbm>>) target_semaphore(%arg13 : memref<!tpu.dma_semaphore, #tpu.memory_space<semaphore_mem>>)
    %dma_wait3A_1006 = arith.constant 1 : i32
    %dma_wait3A_1007 = arith.constant 0 : i32
    %dma_wait3A_1008 = arith.constant 0 : i32
    %dma_wait3A_1009 = tpu.memref_slice %arg7[%dma_wait3A_1006, %dma_wait3A_1007, %dma_wait3A_1008] : memref<4x128x32xf32, #tpu.memory_space<vmem>> -> memref<1x128x32xf32, #tpu.memory_space<vmem>>
    %dma_wait3A_1010 = tpu.memref_squeeze %dma_wait3A_1009 : memref<1x128x32xf32, #tpu.memory_space<vmem>> -> memref<128x32xf32, #tpu.memory_space<vmem>>
    %dma_wait3A_1011 = arith.constant 0 : i32
    %dma_wait3A_1012 = tpu.memref_slice %arg4[%add3A_992, %dma_wait3A_1011] : memref<32768x32xf32, #tpu.memory_space<hbm>> -> memref<128x32xf32, #tpu.memory_space<hbm>>
    %dma_wait3A_1013 = arith.constant 0 : i32
    %dma_wait3A_1014 = tpu.memref_slice %arg4[%add3A_992, %dma_wait3A_1013] : memref<32768x32xf32, #tpu.memory_space<hbm>> -> memref<128x32xf32, #tpu.memory_space<hbm>>
    %dma_wait3A_1015 = arith.constant 0 : i32
    %dma_wait3A_1016 = arith.constant 0 : i32
    %dma_wait3A_1017 = tpu.memref_slice %arg7[%dma_wait3A_1006, %dma_wait3A_1015, %dma_wait3A_1016] : memref<4x128x32xf32, #tpu.memory_space<vmem>> -> memref<1x128x32xf32, #tpu.memory_space<vmem>>
    %dma_wait3A_1018 = tpu.memref_squeeze %dma_wait3A_1017 : memref<1x128x32xf32, #tpu.memory_space<vmem>> -> memref<128x32xf32, #tpu.memory_space<vmem>>
    tpu.wait_dma2 semaphore(%arg13 : memref<!tpu.dma_semaphore, #tpu.memory_space<semaphore_mem>>) src(%dma_wait3A_1018 : memref<128x32xf32, #tpu.memory_space<vmem>>) dst(%dma_wait3A_1014 : memref<128x32xf32, #tpu.memory_space<hbm>>)
    %dma_start3A_1019 = arith.constant 1 : i32
    %dma_start3A_1020 = arith.constant 0 : i32
    %dma_start3A_1021 = arith.constant 0 : i32
    %dma_start3A_1022 = tpu.memref_slice %arg7[%dma_start3A_1019, %dma_start3A_1020, %dma_start3A_1021] : memref<4x128x32xf32, #tpu.memory_space<vmem>> -> memref<1x128x32xf32, #tpu.memory_space<vmem>>
    %dma_start3A_1023 = tpu.memref_squeeze %dma_start3A_1022 : memref<1x128x32xf32, #tpu.memory_space<vmem>> -> memref<128x32xf32, #tpu.memory_space<vmem>>
    %dma_start3A_1024 = arith.constant 640 : i32
    %dma_start3A_1025 = tpu.memref_slice %arg5[%dma_start3A_1024] : memref<1024xi32, #tpu.memory_space<vmem>> -> memref<128xi32, #tpu.memory_space<vmem>>
    %dma_start3A_1026 = arith.constant 0 : i32
    %dma_start3A_1027 = arith.constant 0 : i32
    %dma_start3A_1028 = tpu.memref_slice %arg2[%dma_start3A_1026, %dma_start3A_1027] : memref<1000x32xf32, #tpu.memory_space<hbm>> -> memref<1000x32xf32, #tpu.memory_space<hbm>>
    tpu.enqueue_indirect_dma source(%dma_start3A_1028 : memref<1000x32xf32, #tpu.memory_space<hbm>>) target(%dma_start3A_1023 : memref<128x32xf32, #tpu.memory_space<vmem>>) offsets(%dma_start3A_1025 : memref<128xi32, #tpu.memory_space<vmem>>) semaphore(%arg9 : memref<!tpu.dma_semaphore, #tpu.memory_space<semaphore_mem>>)
    %dma_wait3A_1029 = arith.constant 2 : i32
    %dma_wait3A_1030 = arith.constant 0 : i32
    %dma_wait3A_1031 = arith.constant 0 : i32
    %dma_wait3A_1032 = tpu.memref_slice %arg7[%dma_wait3A_1029, %dma_wait3A_1030, %dma_wait3A_1031] : memref<4x128x32xf32, #tpu.memory_space<vmem>> -> memref<1x128x32xf32, #tpu.memory_space<vmem>>
    %dma_wait3A_1033 = tpu.memref_squeeze %dma_wait3A_1032 : memref<1x128x32xf32, #tpu.memory_space<vmem>> -> memref<128x32xf32, #tpu.memory_space<vmem>>
    %dma_wait3A_1034 = arith.constant 256 : i32
    %dma_wait3A_1035 = tpu.memref_slice %arg5[%dma_wait3A_1034] : memref<1024xi32, #tpu.memory_space<vmem>> -> memref<128xi32, #tpu.memory_space<vmem>>
    %dma_wait3A_1036 = arith.constant 0 : i32
    %dma_wait3A_1037 = arith.constant 0 : i32
    %dma_wait3A_1038 = tpu.memref_slice %arg2[%dma_wait3A_1036, %dma_wait3A_1037] : memref<1000x32xf32, #tpu.memory_space<hbm>> -> memref<1000x32xf32, #tpu.memory_space<hbm>>
    tpu.wait_indirect_dma semaphore(%arg10 : memref<!tpu.dma_semaphore, #tpu.memory_space<semaphore_mem>>) src(%dma_wait3A_1038 : memref<1000x32xf32, #tpu.memory_space<hbm>>) dst(%dma_wait3A_1033 : memref<128x32xf32, #tpu.memory_space<vmem>>)
    %add3A_1039 = arith.constant 256 : i32
    %add3A_1040 = arith.addi %mul3A_2, %add3A_1039 : i32
    %dma_start3A_1041 = arith.constant 2 : i32
    %dma_start3A_1042 = arith.constant 0 : i32
    %dma_start3A_1043 = arith.constant 0 : i32
    %dma_start3A_1044 = tpu.memref_slice %arg7[%dma_start3A_1041, %dma_start3A_1042, %dma_start3A_1043] : memref<4x128x32xf32, #tpu.memory_space<vmem>> -> memref<1x128x32xf32, #tpu.memory_space<vmem>>
    %dma_start3A_1045 = tpu.memref_squeeze %dma_start3A_1044 : memref<1x128x32xf32, #tpu.memory_space<vmem>> -> memref<128x32xf32, #tpu.memory_space<vmem>>
    %dma_start3A_1046 = arith.constant 0 : i32
    %dma_start3A_1047 = tpu.memref_slice %arg4[%add3A_1040, %dma_start3A_1046] : memref<32768x32xf32, #tpu.memory_space<hbm>> -> memref<128x32xf32, #tpu.memory_space<hbm>>
    %dma_start3A_1048 = arith.constant 0 : i32
    %dma_start3A_1049 = tpu.memref_slice %arg4[%add3A_1040, %dma_start3A_1048] : memref<32768x32xf32, #tpu.memory_space<hbm>> -> memref<128x32xf32, #tpu.memory_space<hbm>>
    %dma_start3A_1050 = arith.constant 0 : i32
    %dma_start3A_1051 = arith.constant 0 : i32
    %dma_start3A_1052 = tpu.memref_slice %arg7[%dma_start3A_1041, %dma_start3A_1050, %dma_start3A_1051] : memref<4x128x32xf32, #tpu.memory_space<vmem>> -> memref<1x128x32xf32, #tpu.memory_space<vmem>>
    %dma_start3A_1053 = tpu.memref_squeeze %dma_start3A_1052 : memref<1x128x32xf32, #tpu.memory_space<vmem>> -> memref<128x32xf32, #tpu.memory_space<vmem>>
    tpu.enqueue_dma source(%dma_start3A_1053 : memref<128x32xf32, #tpu.memory_space<vmem>>) target(%dma_start3A_1049 : memref<128x32xf32, #tpu.memory_space<hbm>>) target_semaphore(%arg14 : memref<!tpu.dma_semaphore, #tpu.memory_space<semaphore_mem>>)
    %dma_wait3A_1054 = arith.constant 2 : i32
    %dma_wait3A_1055 = arith.constant 0 : i32
    %dma_wait3A_1056 = arith.constant 0 : i32
    %dma_wait3A_1057 = tpu.memref_slice %arg7[%dma_wait3A_1054, %dma_wait3A_1055, %dma_wait3A_1056] : memref<4x128x32xf32, #tpu.memory_space<vmem>> -> memref<1x128x32xf32, #tpu.memory_space<vmem>>
    %dma_wait3A_1058 = tpu.memref_squeeze %dma_wait3A_1057 : memref<1x128x32xf32, #tpu.memory_space<vmem>> -> memref<128x32xf32, #tpu.memory_space<vmem>>
    %dma_wait3A_1059 = arith.constant 0 : i32
    %dma_wait3A_1060 = tpu.memref_slice %arg4[%add3A_1040, %dma_wait3A_1059] : memref<32768x32xf32, #tpu.memory_space<hbm>> -> memref<128x32xf32, #tpu.memory_space<hbm>>
    %dma_wait3A_1061 = arith.constant 0 : i32
    %dma_wait3A_1062 = tpu.memref_slice %arg4[%add3A_1040, %dma_wait3A_1061] : memref<32768x32xf32, #tpu.memory_space<hbm>> -> memref<128x32xf32, #tpu.memory_space<hbm>>
    %dma_wait3A_1063 = arith.constant 0 : i32
    %dma_wait3A_1064 = arith.constant 0 : i32
    %dma_wait3A_1065 = tpu.memref_slice %arg7[%dma_wait3A_1054, %dma_wait3A_1063, %dma_wait3A_1064] : memref<4x128x32xf32, #tpu.memory_space<vmem>> -> memref<1x128x32xf32, #tpu.memory_space<vmem>>
    %dma_wait3A_1066 = tpu.memref_squeeze %dma_wait3A_1065 : memref<1x128x32xf32, #tpu.memory_space<vmem>> -> memref<128x32xf32, #tpu.memory_space<vmem>>
    tpu.wait_dma2 semaphore(%arg14 : memref<!tpu.dma_semaphore, #tpu.memory_space<semaphore_mem>>) src(%dma_wait3A_1066 : memref<128x32xf32, #tpu.memory_space<vmem>>) dst(%dma_wait3A_1062 : memref<128x32xf32, #tpu.memory_space<hbm>>)
    %dma_start3A_1067 = arith.constant 2 : i32
    %dma_start3A_1068 = arith.constant 0 : i32
    %dma_start3A_1069 = arith.constant 0 : i32
    %dma_start3A_1070 = tpu.memref_slice %arg7[%dma_start3A_1067, %dma_start3A_1068, %dma_start3A_1069] : memref<4x128x32xf32, #tpu.memory_space<vmem>> -> memref<1x128x32xf32, #tpu.memory_space<vmem>>
    %dma_start3A_1071 = tpu.memref_squeeze %dma_start3A_1070 : memref<1x128x32xf32, #tpu.memory_space<vmem>> -> memref<128x32xf32, #tpu.memory_space<vmem>>
    %dma_start3A_1072 = arith.constant 768 : i32
    %dma_start3A_1073 = tpu.memref_slice %arg5[%dma_start3A_1072] : memref<1024xi32, #tpu.memory_space<vmem>> -> memref<128xi32, #tpu.memory_space<vmem>>
    %dma_start3A_1074 = arith.constant 0 : i32
    %dma_start3A_1075 = arith.constant 0 : i32
    %dma_start3A_1076 = tpu.memref_slice %arg2[%dma_start3A_1074, %dma_start3A_1075] : memref<1000x32xf32, #tpu.memory_space<hbm>> -> memref<1000x32xf32, #tpu.memory_space<hbm>>
    tpu.enqueue_indirect_dma source(%dma_start3A_1076 : memref<1000x32xf32, #tpu.memory_space<hbm>>) target(%dma_start3A_1071 : memref<128x32xf32, #tpu.memory_space<vmem>>) offsets(%dma_start3A_1073 : memref<128xi32, #tpu.memory_space<vmem>>) semaphore(%arg10 : memref<!tpu.dma_semaphore, #tpu.memory_space<semaphore_mem>>)
    %dma_wait3A_1077 = arith.constant 3 : i32
    %dma_wait3A_1078 = arith.constant 0 : i32
    %dma_wait3A_1079 = arith.constant 0 : i32
    %dma_wait3A_1080 = tpu.memref_slice %arg7[%dma_wait3A_1077, %dma_wait3A_1078, %dma_wait3A_1079] : memref<4x128x32xf32, #tpu.memory_space<vmem>> -> memref<1x128x32xf32, #tpu.memory_space<vmem>>
    %dma_wait3A_1081 = tpu.memref_squeeze %dma_wait3A_1080 : memref<1x128x32xf32, #tpu.memory_space<vmem>> -> memref<128x32xf32, #tpu.memory_space<vmem>>
    %dma_wait3A_1082 = arith.constant 384 : i32
    %dma_wait3A_1083 = tpu.memref_slice %arg5[%dma_wait3A_1082] : memref<1024xi32, #tpu.memory_space<vmem>> -> memref<128xi32, #tpu.memory_space<vmem>>
    %dma_wait3A_1084 = arith.constant 0 : i32
    %dma_wait3A_1085 = arith.constant 0 : i32
    %dma_wait3A_1086 = tpu.memref_slice %arg2[%dma_wait3A_1084, %dma_wait3A_1085] : memref<1000x32xf32, #tpu.memory_space<hbm>> -> memref<1000x32xf32, #tpu.memory_space<hbm>>
    tpu.wait_indirect_dma semaphore(%arg11 : memref<!tpu.dma_semaphore, #tpu.memory_space<semaphore_mem>>) src(%dma_wait3A_1086 : memref<1000x32xf32, #tpu.memory_space<hbm>>) dst(%dma_wait3A_1081 : memref<128x32xf32, #tpu.memory_space<vmem>>)
    %add3A_1087 = arith.constant 384 : i32
    %add3A_1088 = arith.addi %mul3A_2, %add3A_1087 : i32
    %dma_start3A_1089 = arith.constant 3 : i32
    %dma_start3A_1090 = arith.constant 0 : i32
    %dma_start3A_1091 = arith.constant 0 : i32
    %dma_start3A_1092 = tpu.memref_slice %arg7[%dma_start3A_1089, %dma_start3A_1090, %dma_start3A_1091] : memref<4x128x32xf32, #tpu.memory_space<vmem>> -> memref<1x128x32xf32, #tpu.memory_space<vmem>>
    %dma_start3A_1093 = tpu.memref_squeeze %dma_start3A_1092 : memref<1x128x32xf32, #tpu.memory_space<vmem>> -> memref<128x32xf32, #tpu.memory_space<vmem>>
    %dma_start3A_1094 = arith.constant 0 : i32
    %dma_start3A_1095 = tpu.memref_slice %arg4[%add3A_1088, %dma_start3A_1094] : memref<32768x32xf32, #tpu.memory_space<hbm>> -> memref<128x32xf32, #tpu.memory_space<hbm>>
    %dma_start3A_1096 = arith.constant 0 : i32
    %dma_start3A_1097 = tpu.memref_slice %arg4[%add3A_1088, %dma_start3A_1096] : memref<32768x32xf32, #tpu.memory_space<hbm>> -> memref<128x32xf32, #tpu.memory_space<hbm>>
    %dma_start3A_1098 = arith.constant 0 : i32
    %dma_start3A_1099 = arith.constant 0 : i32
    %dma_start3A_1100 = tpu.memref_slice %arg7[%dma_start3A_1089, %dma_start3A_1098, %dma_start3A_1099] : memref<4x128x32xf32, #tpu.memory_space<vmem>> -> memref<1x128x32xf32, #tpu.memory_space<vmem>>
    %dma_start3A_1101 = tpu.memref_squeeze %dma_start3A_1100 : memref<1x128x32xf32, #tpu.memory_space<vmem>> -> memref<128x32xf32, #tpu.memory_space<vmem>>
    tpu.enqueue_dma source(%dma_start3A_1101 : memref<128x32xf32, #tpu.memory_space<vmem>>) target(%dma_start3A_1097 : memref<128x32xf32, #tpu.memory_space<hbm>>) target_semaphore(%arg15 : memref<!tpu.dma_semaphore, #tpu.memory_space<semaphore_mem>>)
    %dma_wait3A_1102 = arith.constant 3 : i32
    %dma_wait3A_1103 = arith.constant 0 : i32
    %dma_wait3A_1104 = arith.constant 0 : i32
    %dma_wait3A_1105 = tpu.memref_slice %arg7[%dma_wait3A_1102, %dma_wait3A_1103, %dma_wait3A_1104] : memref<4x128x32xf32, #tpu.memory_space<vmem>> -> memref<1x128x32xf32, #tpu.memory_space<vmem>>
    %dma_wait3A_1106 = tpu.memref_squeeze %dma_wait3A_1105 : memref<1x128x32xf32, #tpu.memory_space<vmem>> -> memref<128x32xf32, #tpu.memory_space<vmem>>
    %dma_wait3A_1107 = arith.constant 0 : i32
    %dma_wait3A_1108 = tpu.memref_slice %arg4[%add3A_1088, %dma_wait3A_1107] : memref<32768x32xf32, #tpu.memory_space<hbm>> -> memref<128x32xf32, #tpu.memory_space<hbm>>
    %dma_wait3A_1109 = arith.constant 0 : i32
    %dma_wait3A_1110 = tpu.memref_slice %arg4[%add3A_1088, %dma_wait3A_1109] : memref<32768x32xf32, #tpu.memory_space<hbm>> -> memref<128x32xf32, #tpu.memory_space<hbm>>
    %dma_wait3A_1111 = arith.constant 0 : i32
    %dma_wait3A_1112 = arith.constant 0 : i32
    %dma_wait3A_1113 = tpu.memref_slice %arg7[%dma_wait3A_1102, %dma_wait3A_1111, %dma_wait3A_1112] : memref<4x128x32xf32, #tpu.memory_space<vmem>> -> memref<1x128x32xf32, #tpu.memory_space<vmem>>
    %dma_wait3A_1114 = tpu.memref_squeeze %dma_wait3A_1113 : memref<1x128x32xf32, #tpu.memory_space<vmem>> -> memref<128x32xf32, #tpu.memory_space<vmem>>
    tpu.wait_dma2 semaphore(%arg15 : memref<!tpu.dma_semaphore, #tpu.memory_space<semaphore_mem>>) src(%dma_wait3A_1114 : memref<128x32xf32, #tpu.memory_space<vmem>>) dst(%dma_wait3A_1110 : memref<128x32xf32, #tpu.memory_space<hbm>>)
    %dma_start3A_1115 = arith.constant 3 : i32
    %dma_start3A_1116 = arith.constant 0 : i32
    %dma_start3A_1117 = arith.constant 0 : i32
    %dma_start3A_1118 = tpu.memref_slice %arg7[%dma_start3A_1115, %dma_start3A_1116, %dma_start3A_1117] : memref<4x128x32xf32, #tpu.memory_space<vmem>> -> memref<1x128x32xf32, #tpu.memory_space<vmem>>
    %dma_start3A_1119 = tpu.memref_squeeze %dma_start3A_1118 : memref<1x128x32xf32, #tpu.memory_space<vmem>> -> memref<128x32xf32, #tpu.memory_space<vmem>>
    %dma_start3A_1120 = arith.constant 896 : i32
    %dma_start3A_1121 = tpu.memref_slice %arg5[%dma_start3A_1120] : memref<1024xi32, #tpu.memory_space<vmem>> -> memref<128xi32, #tpu.memory_space<vmem>>
    %dma_start3A_1122 = arith.constant 0 : i32
    %dma_start3A_1123 = arith.constant 0 : i32
    %dma_start3A_1124 = tpu.memref_slice %arg2[%dma_start3A_1122, %dma_start3A_1123] : memref<1000x32xf32, #tpu.memory_space<hbm>> -> memref<1000x32xf32, #tpu.memory_space<hbm>>
    tpu.enqueue_indirect_dma source(%dma_start3A_1124 : memref<1000x32xf32, #tpu.memory_space<hbm>>) target(%dma_start3A_1119 : memref<128x32xf32, #tpu.memory_space<vmem>>) offsets(%dma_start3A_1121 : memref<128xi32, #tpu.memory_space<vmem>>) semaphore(%arg11 : memref<!tpu.dma_semaphore, #tpu.memory_space<semaphore_mem>>)
    %dma_wait3A_1125 = arith.constant 0 : i32
    %dma_wait3A_1126 = arith.constant 0 : i32
    %dma_wait3A_1127 = arith.constant 0 : i32
    %dma_wait3A_1128 = tpu.memref_slice %arg7[%dma_wait3A_1125, %dma_wait3A_1126, %dma_wait3A_1127] : memref<4x128x32xf32, #tpu.memory_space<vmem>> -> memref<1x128x32xf32, #tpu.memory_space<vmem>>
    %dma_wait3A_1129 = tpu.memref_squeeze %dma_wait3A_1128 : memref<1x128x32xf32, #tpu.memory_space<vmem>> -> memref<128x32xf32, #tpu.memory_space<vmem>>
    %dma_wait3A_1130 = arith.constant 512 : i32
    %dma_wait3A_1131 = tpu.memref_slice %arg5[%dma_wait3A_1130] : memref<1024xi32, #tpu.memory_space<vmem>> -> memref<128xi32, #tpu.memory_space<vmem>>
    %dma_wait3A_1132 = arith.constant 0 : i32
    %dma_wait3A_1133 = arith.constant 0 : i32
    %dma_wait3A_1134 = tpu.memref_slice %arg2[%dma_wait3A_1132, %dma_wait3A_1133] : memref<1000x32xf32, #tpu.memory_space<hbm>> -> memref<1000x32xf32, #tpu.memory_space<hbm>>
    tpu.wait_indirect_dma semaphore(%arg8 : memref<!tpu.dma_semaphore, #tpu.memory_space<semaphore_mem>>) src(%dma_wait3A_1134 : memref<1000x32xf32, #tpu.memory_space<hbm>>) dst(%dma_wait3A_1129 : memref<128x32xf32, #tpu.memory_space<vmem>>)
    %add3A_1135 = arith.constant 512 : i32
    %add3A_1136 = arith.addi %mul3A_2, %add3A_1135 : i32
    %dma_start3A_1137 = arith.constant 0 : i32
    %dma_start3A_1138 = arith.constant 0 : i32
    %dma_start3A_1139 = arith.constant 0 : i32
    %dma_start3A_1140 = tpu.memref_slice %arg7[%dma_start3A_1137, %dma_start3A_1138, %dma_start3A_1139] : memref<4x128x32xf32, #tpu.memory_space<vmem>> -> memref<1x128x32xf32, #tpu.memory_space<vmem>>
    %dma_start3A_1141 = tpu.memref_squeeze %dma_start3A_1140 : memref<1x128x32xf32, #tpu.memory_space<vmem>> -> memref<128x32xf32, #tpu.memory_space<vmem>>
    %dma_start3A_1142 = arith.constant 0 : i32
    %dma_start3A_1143 = tpu.memref_slice %arg4[%add3A_1136, %dma_start3A_1142] : memref<32768x32xf32, #tpu.memory_space<hbm>> -> memref<128x32xf32, #tpu.memory_space<hbm>>
    %dma_start3A_1144 = arith.constant 0 : i32
    %dma_start3A_1145 = tpu.memref_slice %arg4[%add3A_1136, %dma_start3A_1144] : memref<32768x32xf32, #tpu.memory_space<hbm>> -> memref<128x32xf32, #tpu.memory_space<hbm>>
    %dma_start3A_1146 = arith.constant 0 : i32
    %dma_start3A_1147 = arith.constant 0 : i32
    %dma_start3A_1148 = tpu.memref_slice %arg7[%dma_start3A_1137, %dma_start3A_1146, %dma_start3A_1147] : memref<4x128x32xf32, #tpu.memory_space<vmem>> -> memref<1x128x32xf32, #tpu.memory_space<vmem>>
    %dma_start3A_1149 = tpu.memref_squeeze %dma_start3A_1148 : memref<1x128x32xf32, #tpu.memory_space<vmem>> -> memref<128x32xf32, #tpu.memory_space<vmem>>
    tpu.enqueue_dma source(%dma_start3A_1149 : memref<128x32xf32, #tpu.memory_space<vmem>>) target(%dma_start3A_1145 : memref<128x32xf32, #tpu.memory_space<hbm>>) target_semaphore(%arg12 : memref<!tpu.dma_semaphore, #tpu.memory_space<semaphore_mem>>)
    %dma_wait3A_1150 = arith.constant 1 : i32
    %dma_wait3A_1151 = arith.constant 0 : i32
    %dma_wait3A_1152 = arith.constant 0 : i32
    %dma_wait3A_1153 = tpu.memref_slice %arg7[%dma_wait3A_1150, %dma_wait3A_1151, %dma_wait3A_1152] : memref<4x128x32xf32, #tpu.memory_space<vmem>> -> memref<1x128x32xf32, #tpu.memory_space<vmem>>
    %dma_wait3A_1154 = tpu.memref_squeeze %dma_wait3A_1153 : memref<1x128x32xf32, #tpu.memory_space<vmem>> -> memref<128x32xf32, #tpu.memory_space<vmem>>
    %dma_wait3A_1155 = arith.constant 640 : i32
    %dma_wait3A_1156 = tpu.memref_slice %arg5[%dma_wait3A_1155] : memref<1024xi32, #tpu.memory_space<vmem>> -> memref<128xi32, #tpu.memory_space<vmem>>
    %dma_wait3A_1157 = arith.constant 0 : i32
    %dma_wait3A_1158 = arith.constant 0 : i32
    %dma_wait3A_1159 = tpu.memref_slice %arg2[%dma_wait3A_1157, %dma_wait3A_1158] : memref<1000x32xf32, #tpu.memory_space<hbm>> -> memref<1000x32xf32, #tpu.memory_space<hbm>>
    tpu.wait_indirect_dma semaphore(%arg9 : memref<!tpu.dma_semaphore, #tpu.memory_space<semaphore_mem>>) src(%dma_wait3A_1159 : memref<1000x32xf32, #tpu.memory_space<hbm>>) dst(%dma_wait3A_1154 : memref<128x32xf32, #tpu.memory_space<vmem>>)
    %add3A_1160 = arith.constant 640 : i32
    %add3A_1161 = arith.addi %mul3A_2, %add3A_1160 : i32
    %dma_start3A_1162 = arith.constant 1 : i32
    %dma_start3A_1163 = arith.constant 0 : i32
    %dma_start3A_1164 = arith.constant 0 : i32
    %dma_start3A_1165 = tpu.memref_slice %arg7[%dma_start3A_1162, %dma_start3A_1163, %dma_start3A_1164] : memref<4x128x32xf32, #tpu.memory_space<vmem>> -> memref<1x128x32xf32, #tpu.memory_space<vmem>>
    %dma_start3A_1166 = tpu.memref_squeeze %dma_start3A_1165 : memref<1x128x32xf32, #tpu.memory_space<vmem>> -> memref<128x32xf32, #tpu.memory_space<vmem>>
    %dma_start3A_1167 = arith.constant 0 : i32
    %dma_start3A_1168 = tpu.memref_slice %arg4[%add3A_1161, %dma_start3A_1167] : memref<32768x32xf32, #tpu.memory_space<hbm>> -> memref<128x32xf32, #tpu.memory_space<hbm>>
    %dma_start3A_1169 = arith.constant 0 : i32
    %dma_start3A_1170 = tpu.memref_slice %arg4[%add3A_1161, %dma_start3A_1169] : memref<32768x32xf32, #tpu.memory_space<hbm>> -> memref<128x32xf32, #tpu.memory_space<hbm>>
    %dma_start3A_1171 = arith.constant 0 : i32
    %dma_start3A_1172 = arith.constant 0 : i32
    %dma_start3A_1173 = tpu.memref_slice %arg7[%dma_start3A_1162, %dma_start3A_1171, %dma_start3A_1172] : memref<4x128x32xf32, #tpu.memory_space<vmem>> -> memref<1x128x32xf32, #tpu.memory_space<vmem>>
    %dma_start3A_1174 = tpu.memref_squeeze %dma_start3A_1173 : memref<1x128x32xf32, #tpu.memory_space<vmem>> -> memref<128x32xf32, #tpu.memory_space<vmem>>
    tpu.enqueue_dma source(%dma_start3A_1174 : memref<128x32xf32, #tpu.memory_space<vmem>>) target(%dma_start3A_1170 : memref<128x32xf32, #tpu.memory_space<hbm>>) target_semaphore(%arg13 : memref<!tpu.dma_semaphore, #tpu.memory_space<semaphore_mem>>)
    %dma_wait3A_1175 = arith.constant 2 : i32
    %dma_wait3A_1176 = arith.constant 0 : i32
    %dma_wait3A_1177 = arith.constant 0 : i32
    %dma_wait3A_1178 = tpu.memref_slice %arg7[%dma_wait3A_1175, %dma_wait3A_1176, %dma_wait3A_1177] : memref<4x128x32xf32, #tpu.memory_space<vmem>> -> memref<1x128x32xf32, #tpu.memory_space<vmem>>
    %dma_wait3A_1179 = tpu.memref_squeeze %dma_wait3A_1178 : memref<1x128x32xf32, #tpu.memory_space<vmem>> -> memref<128x32xf32, #tpu.memory_space<vmem>>
    %dma_wait3A_1180 = arith.constant 768 : i32
    %dma_wait3A_1181 = tpu.memref_slice %arg5[%dma_wait3A_1180] : memref<1024xi32, #tpu.memory_space<vmem>> -> memref<128xi32, #tpu.memory_space<vmem>>
    %dma_wait3A_1182 = arith.constant 0 : i32
    %dma_wait3A_1183 = arith.constant 0 : i32
    %dma_wait3A_1184 = tpu.memref_slice %arg2[%dma_wait3A_1182, %dma_wait3A_1183] : memref<1000x32xf32, #tpu.memory_space<hbm>> -> memref<1000x32xf32, #tpu.memory_space<hbm>>
    tpu.wait_indirect_dma semaphore(%arg10 : memref<!tpu.dma_semaphore, #tpu.memory_space<semaphore_mem>>) src(%dma_wait3A_1184 : memref<1000x32xf32, #tpu.memory_space<hbm>>) dst(%dma_wait3A_1179 : memref<128x32xf32, #tpu.memory_space<vmem>>)
    %add3A_1185 = arith.constant 768 : i32
    %add3A_1186 = arith.addi %mul3A_2, %add3A_1185 : i32
    %dma_start3A_1187 = arith.constant 2 : i32
    %dma_start3A_1188 = arith.constant 0 : i32
    %dma_start3A_1189 = arith.constant 0 : i32
    %dma_start3A_1190 = tpu.memref_slice %arg7[%dma_start3A_1187, %dma_start3A_1188, %dma_start3A_1189] : memref<4x128x32xf32, #tpu.memory_space<vmem>> -> memref<1x128x32xf32, #tpu.memory_space<vmem>>
    %dma_start3A_1191 = tpu.memref_squeeze %dma_start3A_1190 : memref<1x128x32xf32, #tpu.memory_space<vmem>> -> memref<128x32xf32, #tpu.memory_space<vmem>>
    %dma_start3A_1192 = arith.constant 0 : i32
    %dma_start3A_1193 = tpu.memref_slice %arg4[%add3A_1186, %dma_start3A_1192] : memref<32768x32xf32, #tpu.memory_space<hbm>> -> memref<128x32xf32, #tpu.memory_space<hbm>>
    %dma_start3A_1194 = arith.constant 0 : i32
    %dma_start3A_1195 = tpu.memref_slice %arg4[%add3A_1186, %dma_start3A_1194] : memref<32768x32xf32, #tpu.memory_space<hbm>> -> memref<128x32xf32, #tpu.memory_space<hbm>>
    %dma_start3A_1196 = arith.constant 0 : i32
    %dma_start3A_1197 = arith.constant 0 : i32
    %dma_start3A_1198 = tpu.memref_slice %arg7[%dma_start3A_1187, %dma_start3A_1196, %dma_start3A_1197] : memref<4x128x32xf32, #tpu.memory_space<vmem>> -> memref<1x128x32xf32, #tpu.memory_space<vmem>>
    %dma_start3A_1199 = tpu.memref_squeeze %dma_start3A_1198 : memref<1x128x32xf32, #tpu.memory_space<vmem>> -> memref<128x32xf32, #tpu.memory_space<vmem>>
    tpu.enqueue_dma source(%dma_start3A_1199 : memref<128x32xf32, #tpu.memory_space<vmem>>) target(%dma_start3A_1195 : memref<128x32xf32, #tpu.memory_space<hbm>>) target_semaphore(%arg14 : memref<!tpu.dma_semaphore, #tpu.memory_space<semaphore_mem>>)
    %dma_wait3A_1200 = arith.constant 3 : i32
    %dma_wait3A_1201 = arith.constant 0 : i32
    %dma_wait3A_1202 = arith.constant 0 : i32
    %dma_wait3A_1203 = tpu.memref_slice %arg7[%dma_wait3A_1200, %dma_wait3A_1201, %dma_wait3A_1202] : memref<4x128x32xf32, #tpu.memory_space<vmem>> -> memref<1x128x32xf32, #tpu.memory_space<vmem>>
    %dma_wait3A_1204 = tpu.memref_squeeze %dma_wait3A_1203 : memref<1x128x32xf32, #tpu.memory_space<vmem>> -> memref<128x32xf32, #tpu.memory_space<vmem>>
    %dma_wait3A_1205 = arith.constant 896 : i32
    %dma_wait3A_1206 = tpu.memref_slice %arg5[%dma_wait3A_1205] : memref<1024xi32, #tpu.memory_space<vmem>> -> memref<128xi32, #tpu.memory_space<vmem>>
    %dma_wait3A_1207 = arith.constant 0 : i32
    %dma_wait3A_1208 = arith.constant 0 : i32
    %dma_wait3A_1209 = tpu.memref_slice %arg2[%dma_wait3A_1207, %dma_wait3A_1208] : memref<1000x32xf32, #tpu.memory_space<hbm>> -> memref<1000x32xf32, #tpu.memory_space<hbm>>
    tpu.wait_indirect_dma semaphore(%arg11 : memref<!tpu.dma_semaphore, #tpu.memory_space<semaphore_mem>>) src(%dma_wait3A_1209 : memref<1000x32xf32, #tpu.memory_space<hbm>>) dst(%dma_wait3A_1204 : memref<128x32xf32, #tpu.memory_space<vmem>>)
    %add3A_1210 = arith.constant 896 : i32
    %add3A_1211 = arith.addi %mul3A_2, %add3A_1210 : i32
    %dma_start3A_1212 = arith.constant 3 : i32
    %dma_start3A_1213 = arith.constant 0 : i32
    %dma_start3A_1214 = arith.constant 0 : i32
    %dma_start3A_1215 = tpu.memref_slice %arg7[%dma_start3A_1212, %dma_start3A_1213, %dma_start3A_1214] : memref<4x128x32xf32, #tpu.memory_space<vmem>> -> memref<1x128x32xf32, #tpu.memory_space<vmem>>
    %dma_start3A_1216 = tpu.memref_squeeze %dma_start3A_1215 : memref<1x128x32xf32, #tpu.memory_space<vmem>> -> memref<128x32xf32, #tpu.memory_space<vmem>>
    %dma_start3A_1217 = arith.constant 0 : i32
    %dma_start3A_1218 = tpu.memref_slice %arg4[%add3A_1211, %dma_start3A_1217] : memref<32768x32xf32, #tpu.memory_space<hbm>> -> memref<128x32xf32, #tpu.memory_space<hbm>>
    %dma_start3A_1219 = arith.constant 0 : i32
    %dma_start3A_1220 = tpu.memref_slice %arg4[%add3A_1211, %dma_start3A_1219] : memref<32768x32xf32, #tpu.memory_space<hbm>> -> memref<128x32xf32, #tpu.memory_space<hbm>>
    %dma_start3A_1221 = arith.constant 0 : i32
    %dma_start3A_1222 = arith.constant 0 : i32
    %dma_start3A_1223 = tpu.memref_slice %arg7[%dma_start3A_1212, %dma_start3A_1221, %dma_start3A_1222] : memref<4x128x32xf32, #tpu.memory_space<vmem>> -> memref<1x128x32xf32, #tpu.memory_space<vmem>>
    %dma_start3A_1224 = tpu.memref_squeeze %dma_start3A_1223 : memref<1x128x32xf32, #tpu.memory_space<vmem>> -> memref<128x32xf32, #tpu.memory_space<vmem>>
    tpu.enqueue_dma source(%dma_start3A_1224 : memref<128x32xf32, #tpu.memory_space<vmem>>) target(%dma_start3A_1220 : memref<128x32xf32, #tpu.memory_space<hbm>>) target_semaphore(%arg15 : memref<!tpu.dma_semaphore, #tpu.memory_space<semaphore_mem>>)
    %dma_wait3A_1225 = arith.constant 0 : i32
    %dma_wait3A_1226 = arith.constant 0 : i32
    %dma_wait3A_1227 = arith.constant 0 : i32
    %dma_wait3A_1228 = tpu.memref_slice %arg7[%dma_wait3A_1225, %dma_wait3A_1226, %dma_wait3A_1227] : memref<4x128x32xf32, #tpu.memory_space<vmem>> -> memref<1x128x32xf32, #tpu.memory_space<vmem>>
    %dma_wait3A_1229 = tpu.memref_squeeze %dma_wait3A_1228 : memref<1x128x32xf32, #tpu.memory_space<vmem>> -> memref<128x32xf32, #tpu.memory_space<vmem>>
    %dma_wait3A_1230 = arith.constant 0 : i32
    %dma_wait3A_1231 = tpu.memref_slice %arg4[%add3A_1136, %dma_wait3A_1230] : memref<32768x32xf32, #tpu.memory_space<hbm>> -> memref<128x32xf32, #tpu.memory_space<hbm>>
    %dma_wait3A_1232 = arith.constant 0 : i32
    %dma_wait3A_1233 = tpu.memref_slice %arg4[%add3A_1136, %dma_wait3A_1232] : memref<32768x32xf32, #tpu.memory_space<hbm>> -> memref<128x32xf32, #tpu.memory_space<hbm>>
    %dma_wait3A_1234 = arith.constant 0 : i32
    %dma_wait3A_1235 = arith.constant 0 : i32
    %dma_wait3A_1236 = tpu.memref_slice %arg7[%dma_wait3A_1225, %dma_wait3A_1234, %dma_wait3A_1235] : memref<4x128x32xf32, #tpu.memory_space<vmem>> -> memref<1x128x32xf32, #tpu.memory_space<vmem>>
    %dma_wait3A_1237 = tpu.memref_squeeze %dma_wait3A_1236 : memref<1x128x32xf32, #tpu.memory_space<vmem>> -> memref<128x32xf32, #tpu.memory_space<vmem>>
    tpu.wait_dma2 semaphore(%arg12 : memref<!tpu.dma_semaphore, #tpu.memory_space<semaphore_mem>>) src(%dma_wait3A_1237 : memref<128x32xf32, #tpu.memory_space<vmem>>) dst(%dma_wait3A_1233 : memref<128x32xf32, #tpu.memory_space<hbm>>)
    %dma_wait3A_1238 = arith.constant 1 : i32
    %dma_wait3A_1239 = arith.constant 0 : i32
    %dma_wait3A_1240 = arith.constant 0 : i32
    %dma_wait3A_1241 = tpu.memref_slice %arg7[%dma_wait3A_1238, %dma_wait3A_1239, %dma_wait3A_1240] : memref<4x128x32xf32, #tpu.memory_space<vmem>> -> memref<1x128x32xf32, #tpu.memory_space<vmem>>
    %dma_wait3A_1242 = tpu.memref_squeeze %dma_wait3A_1241 : memref<1x128x32xf32, #tpu.memory_space<vmem>> -> memref<128x32xf32, #tpu.memory_space<vmem>>
    %dma_wait3A_1243 = arith.constant 0 : i32
    %dma_wait3A_1244 = tpu.memref_slice %arg4[%add3A_1161, %dma_wait3A_1243] : memref<32768x32xf32, #tpu.memory_space<hbm>> -> memref<128x32xf32, #tpu.memory_space<hbm>>
    %dma_wait3A_1245 = arith.constant 0 : i32
    %dma_wait3A_1246 = tpu.memref_slice %arg4[%add3A_1161, %dma_wait3A_1245] : memref<32768x32xf32, #tpu.memory_space<hbm>> -> memref<128x32xf32, #tpu.memory_space<hbm>>
    %dma_wait3A_1247 = arith.constant 0 : i32
    %dma_wait3A_1248 = arith.constant 0 : i32
    %dma_wait3A_1249 = tpu.memref_slice %arg7[%dma_wait3A_1238, %dma_wait3A_1247, %dma_wait3A_1248] : memref<4x128x32xf32, #tpu.memory_space<vmem>> -> memref<1x128x32xf32, #tpu.memory_space<vmem>>
    %dma_wait3A_1250 = tpu.memref_squeeze %dma_wait3A_1249 : memref<1x128x32xf32, #tpu.memory_space<vmem>> -> memref<128x32xf32, #tpu.memory_space<vmem>>
    tpu.wait_dma2 semaphore(%arg13 : memref<!tpu.dma_semaphore, #tpu.memory_space<semaphore_mem>>) src(%dma_wait3A_1250 : memref<128x32xf32, #tpu.memory_space<vmem>>) dst(%dma_wait3A_1246 : memref<128x32xf32, #tpu.memory_space<hbm>>)
    %dma_wait3A_1251 = arith.constant 2 : i32
    %dma_wait3A_1252 = arith.constant 0 : i32
    %dma_wait3A_1253 = arith.constant 0 : i32
    %dma_wait3A_1254 = tpu.memref_slice %arg7[%dma_wait3A_1251, %dma_wait3A_1252, %dma_wait3A_1253] : memref<4x128x32xf32, #tpu.memory_space<vmem>> -> memref<1x128x32xf32, #tpu.memory_space<vmem>>
    %dma_wait3A_1255 = tpu.memref_squeeze %dma_wait3A_1254 : memref<1x128x32xf32, #tpu.memory_space<vmem>> -> memref<128x32xf32, #tpu.memory_space<vmem>>
    %dma_wait3A_1256 = arith.constant 0 : i32
    %dma_wait3A_1257 = tpu.memref_slice %arg4[%add3A_1186, %dma_wait3A_1256] : memref<32768x32xf32, #tpu.memory_space<hbm>> -> memref<128x32xf32, #tpu.memory_space<hbm>>
    %dma_wait3A_1258 = arith.constant 0 : i32
    %dma_wait3A_1259 = tpu.memref_slice %arg4[%add3A_1186, %dma_wait3A_1258] : memref<32768x32xf32, #tpu.memory_space<hbm>> -> memref<128x32xf32, #tpu.memory_space<hbm>>
    %dma_wait3A_1260 = arith.constant 0 : i32
    %dma_wait3A_1261 = arith.constant 0 : i32
    %dma_wait3A_1262 = tpu.memref_slice %arg7[%dma_wait3A_1251, %dma_wait3A_1260, %dma_wait3A_1261] : memref<4x128x32xf32, #tpu.memory_space<vmem>> -> memref<1x128x32xf32, #tpu.memory_space<vmem>>
    %dma_wait3A_1263 = tpu.memref_squeeze %dma_wait3A_1262 : memref<1x128x32xf32, #tpu.memory_space<vmem>> -> memref<128x32xf32, #tpu.memory_space<vmem>>
    tpu.wait_dma2 semaphore(%arg14 : memref<!tpu.dma_semaphore, #tpu.memory_space<semaphore_mem>>) src(%dma_wait3A_1263 : memref<128x32xf32, #tpu.memory_space<vmem>>) dst(%dma_wait3A_1259 : memref<128x32xf32, #tpu.memory_space<hbm>>)
    %dma_wait3A_1264 = arith.constant 3 : i32
    %dma_wait3A_1265 = arith.constant 0 : i32
    %dma_wait3A_1266 = arith.constant 0 : i32
    %dma_wait3A_1267 = tpu.memref_slice %arg7[%dma_wait3A_1264, %dma_wait3A_1265, %dma_wait3A_1266] : memref<4x128x32xf32, #tpu.memory_space<vmem>> -> memref<1x128x32xf32, #tpu.memory_space<vmem>>
    %dma_wait3A_1268 = tpu.memref_squeeze %dma_wait3A_1267 : memref<1x128x32xf32, #tpu.memory_space<vmem>> -> memref<128x32xf32, #tpu.memory_space<vmem>>
    %dma_wait3A_1269 = arith.constant 0 : i32
    %dma_wait3A_1270 = tpu.memref_slice %arg4[%add3A_1211, %dma_wait3A_1269] : memref<32768x32xf32, #tpu.memory_space<hbm>> -> memref<128x32xf32, #tpu.memory_space<hbm>>
    %dma_wait3A_1271 = arith.constant 0 : i32
    %dma_wait3A_1272 = tpu.memref_slice %arg4[%add3A_1211, %dma_wait3A_1271] : memref<32768x32xf32, #tpu.memory_space<hbm>> -> memref<128x32xf32, #tpu.memory_space<hbm>>
    %dma_wait3A_1273 = arith.constant 0 : i32
    %dma_wait3A_1274 = arith.constant 0 : i32
    %dma_wait3A_1275 = tpu.memref_slice %arg7[%dma_wait3A_1264, %dma_wait3A_1273, %dma_wait3A_1274] : memref<4x128x32xf32, #tpu.memory_space<vmem>> -> memref<1x128x32xf32, #tpu.memory_space<vmem>>
    %dma_wait3A_1276 = tpu.memref_squeeze %dma_wait3A_1275 : memref<1x128x32xf32, #tpu.memory_space<vmem>> -> memref<128x32xf32, #tpu.memory_space<vmem>>
    tpu.wait_dma2 semaphore(%arg15 : memref<!tpu.dma_semaphore, #tpu.memory_space<semaphore_mem>>) src(%dma_wait3A_1276 : memref<128x32xf32, #tpu.memory_space<vmem>>) dst(%dma_wait3A_1272 : memref<128x32xf32, #tpu.memory_space<hbm>>)
    return
  }
}

module attributes {stable_mosaic.version = 14 : i64} {
  func.func @_head_body(%arg0: i32, %arg1: i32, %arg2: memref<512x128xf32, #tpu.memory_space<vmem>>, %arg3: memref<1000x32xbf16, #tpu.memory_space<vmem>>, %arg4: memref<1000x1xf32, #tpu.memory_space<vmem>>, %arg5: memref<1x1000x2048xf32, #tpu.memory_space<vmem>>) attributes {dimension_semantics = [#tpu.dimension_semantics<arbitrary>, #tpu.dimension_semantics<arbitrary>], iteration_bounds = array<i64: 8, 2>, scalar_prefetch = 0 : i64, scratch_operands = 0 : i64, tpu.core_type = #tpu.core_type<tc>, window_params = [{transform_indices = @transform_0, window_bounds = array<i64: 512, 128>}, {pipeline_mode = #tpu.pipeline_mode<synchronous>, transform_indices = @transform_1, window_bounds = array<i64: 1000, 32>}, {pipeline_mode = #tpu.pipeline_mode<synchronous>, transform_indices = @transform_2, window_bounds = array<i64: 1000, 1>}, {transform_indices = @transform_3, window_bounds = array<i64: 1, 1000, 2048>}]} {
    %get3A = arith.constant 0 : index
    %get3A_0 = arith.constant 0 : index
    %get3A_1 = vector.load %arg3[%get3A, %get3A_0] : memref<1000x32xbf16, #tpu.memory_space<vmem>>, vector<1000x32xbf16>
    %get3A_2 = arith.constant 0 : index
    %get3A_3 = arith.constant 0 : index
    %get3A_4 = vector.load %arg4[%get3A_2, %get3A_3] : memref<1000x1xf32, #tpu.memory_space<vmem>>, vector<1000x1xf32>
    %get3A_5 = arith.constant 0 : index
    %get3A_6 = arith.constant 0 : index
    %get3A_7 = vector.load %arg2[%get3A_5, %get3A_6] : memref<512x128xf32, #tpu.memory_space<vmem>>, vector<512x32xf32>
    %convert_element_type3A = arith.truncf %get3A_7 : vector<512x32xf32> to vector<512x32xbf16>
    %dot_general3A = arith.constant dense<0.000000e+00> : vector<1000x512xf32>
    %dot_general3A_8 = tpu.matmul %get3A_1, %convert_element_type3A, %dot_general3A {dimension_numbers = #tpu.dot_dimension_numbers<[1], [1], [0], [0], [0, 0, 1, 0], [], []>, transpose_lhs_hint = false} : vector<1000x32xbf16>, vector<512x32xbf16>, vector<1000x512xf32> -> vector<1000x512xf32>
    %add3A = vector.broadcast %get3A_4 : vector<1000x1xf32> to vector<1000x512xf32>
    %add3A_9 = arith.addf %dot_general3A_8, %add3A : vector<1000x512xf32>
    %swap3A = arith.constant 0 : index
    %swap3A_10 = arith.constant 0 : index
    %swap3A_11 = arith.constant 0 : index
    %swap3A_12 = vector.load %arg5[%swap3A, %swap3A_10, %swap3A_11] : memref<1x1000x2048xf32, #tpu.memory_space<vmem>>, vector<1x1000x512xf32>
    %swap3A_13 = vector.shape_cast %swap3A_12 : vector<1x1000x512xf32> to vector<1000x512xf32>
    %swap3A_14 = vector.shape_cast %add3A_9 : vector<1000x512xf32> to vector<1x1000x512xf32>
    tpu.vector_store %arg5[%swap3A, %swap3A_10, %swap3A_11], %swap3A_14 {strides = array<i32>} : memref<1x1000x2048xf32, #tpu.memory_space<vmem>>, vector<1x1000x512xf32>,
    %get3A_15 = arith.constant 0 : index
    %get3A_16 = arith.constant 32 : index
    %get3A_17 = vector.load %arg2[%get3A_15, %get3A_16] : memref<512x128xf32, #tpu.memory_space<vmem>>, vector<512x32xf32>
    %convert_element_type3A_18 = arith.truncf %get3A_17 : vector<512x32xf32> to vector<512x32xbf16>
    %dot_general3A_19 = arith.constant dense<0.000000e+00> : vector<1000x512xf32>
    %dot_general3A_20 = tpu.matmul %get3A_1, %convert_element_type3A_18, %dot_general3A_19 {dimension_numbers = #tpu.dot_dimension_numbers<[1], [1], [0], [0], [0, 0, 1, 0], [], []>, transpose_lhs_hint = false} : vector<1000x32xbf16>, vector<512x32xbf16>, vector<1000x512xf32> -> vector<1000x512xf32>
    %add3A_21 = vector.broadcast %get3A_4 : vector<1000x1xf32> to vector<1000x512xf32>
    %add3A_22 = arith.addf %dot_general3A_20, %add3A_21 : vector<1000x512xf32>
    %swap3A_23 = arith.constant 0 : index
    %swap3A_24 = arith.constant 0 : index
    %swap3A_25 = arith.constant 512 : index
    %swap3A_26 = vector.load %arg5[%swap3A_23, %swap3A_24, %swap3A_25] : memref<1x1000x2048xf32, #tpu.memory_space<vmem>>, vector<1x1000x512xf32>
    %swap3A_27 = vector.shape_cast %swap3A_26 : vector<1x1000x512xf32> to vector<1000x512xf32>
    %swap3A_28 = vector.shape_cast %add3A_22 : vector<1000x512xf32> to vector<1x1000x512xf32>
    tpu.vector_store %arg5[%swap3A_23, %swap3A_24, %swap3A_25], %swap3A_28 {strides = array<i32>} : memref<1x1000x2048xf32, #tpu.memory_space<vmem>>, vector<1x1000x512xf32>,
    %get3A_29 = arith.constant 0 : index
    %get3A_30 = arith.constant 64 : index
    %get3A_31 = vector.load %arg2[%get3A_29, %get3A_30] : memref<512x128xf32, #tpu.memory_space<vmem>>, vector<512x32xf32>
    %convert_element_type3A_32 = arith.truncf %get3A_31 : vector<512x32xf32> to vector<512x32xbf16>
    %dot_general3A_33 = arith.constant dense<0.000000e+00> : vector<1000x512xf32>
    %dot_general3A_34 = tpu.matmul %get3A_1, %convert_element_type3A_32, %dot_general3A_33 {dimension_numbers = #tpu.dot_dimension_numbers<[1], [1], [0], [0], [0, 0, 1, 0], [], []>, transpose_lhs_hint = false} : vector<1000x32xbf16>, vector<512x32xbf16>, vector<1000x512xf32> -> vector<1000x512xf32>
    %add3A_35 = vector.broadcast %get3A_4 : vector<1000x1xf32> to vector<1000x512xf32>
    %add3A_36 = arith.addf %dot_general3A_34, %add3A_35 : vector<1000x512xf32>
    %swap3A_37 = arith.constant 0 : index
    %swap3A_38 = arith.constant 0 : index
    %swap3A_39 = arith.constant 1024 : index
    %swap3A_40 = vector.load %arg5[%swap3A_37, %swap3A_38, %swap3A_39] : memref<1x1000x2048xf32, #tpu.memory_space<vmem>>, vector<1x1000x512xf32>
    %swap3A_41 = vector.shape_cast %swap3A_40 : vector<1x1000x512xf32> to vector<1000x512xf32>
    %swap3A_42 = vector.shape_cast %add3A_36 : vector<1000x512xf32> to vector<1x1000x512xf32>
    tpu.vector_store %arg5[%swap3A_37, %swap3A_38, %swap3A_39], %swap3A_42 {strides = array<i32>} : memref<1x1000x2048xf32, #tpu.memory_space<vmem>>, vector<1x1000x512xf32>,
    %get3A_43 = arith.constant 0 : index
    %get3A_44 = arith.constant 96 : index
    %get3A_45 = vector.load %arg2[%get3A_43, %get3A_44] : memref<512x128xf32, #tpu.memory_space<vmem>>, vector<512x32xf32>
    %convert_element_type3A_46 = arith.truncf %get3A_45 : vector<512x32xf32> to vector<512x32xbf16>
    %dot_general3A_47 = arith.constant dense<0.000000e+00> : vector<1000x512xf32>
    %dot_general3A_48 = tpu.matmul %get3A_1, %convert_element_type3A_46, %dot_general3A_47 {dimension_numbers = #tpu.dot_dimension_numbers<[1], [1], [0], [0], [0, 0, 1, 0], [], []>, transpose_lhs_hint = false} : vector<1000x32xbf16>, vector<512x32xbf16>, vector<1000x512xf32> -> vector<1000x512xf32>
    %add3A_49 = vector.broadcast %get3A_4 : vector<1000x1xf32> to vector<1000x512xf32>
    %add3A_50 = arith.addf %dot_general3A_48, %add3A_49 : vector<1000x512xf32>
    %swap3A_51 = arith.constant 0 : index
    %swap3A_52 = arith.constant 0 : index
    %swap3A_53 = arith.constant 1536 : index
    %swap3A_54 = vector.load %arg5[%swap3A_51, %swap3A_52, %swap3A_53] : memref<1x1000x2048xf32, #tpu.memory_space<vmem>>, vector<1x1000x512xf32>
    %swap3A_55 = vector.shape_cast %swap3A_54 : vector<1x1000x512xf32> to vector<1000x512xf32>
    %swap3A_56 = vector.shape_cast %add3A_50 : vector<1000x512xf32> to vector<1x1000x512xf32>
    tpu.vector_store %arg5[%swap3A_51, %swap3A_52, %swap3A_53], %swap3A_56 {strides = array<i32>} : memref<1x1000x2048xf32, #tpu.memory_space<vmem>>, vector<1x1000x512xf32>,
    return
  }
  func.func @transform_0(%arg0: i32, %arg1: i32) -> (i32, i32) {
    %mul3A = arith.constant 2 : i32
    %mul3A_0 = arith.muli %arg0, %mul3A : i32
    %add3A = arith.addi %mul3A_0, %arg1 : i32
    %c0_i32 = arith.constant 0 : i32
    %c0_i32_1 = arith.constant 0 : i32
    return %add3A, %c0_i32 : i32, i32
  }
  func.func @transform_1(%arg0: i32, %arg1: i32) -> (i32, i32) {
    %c0_i32 = arith.constant 0 : i32
    %c0_i32_0 = arith.constant 0 : i32
    %c0_i32_1 = arith.constant 0 : i32
    return %c0_i32, %c0_i32_0 : i32, i32
  }
  func.func @transform_2(%arg0: i32, %arg1: i32) -> (i32, i32) {
    %c0_i32 = arith.constant 0 : i32
    %c0_i32_0 = arith.constant 0 : i32
    %c0_i32_1 = arith.constant 0 : i32
    return %c0_i32, %c0_i32_0 : i32, i32
  }
  func.func @transform_3(%arg0: i32, %arg1: i32) -> (i32, i32, i32) {
    %c0_i32 = arith.constant 0 : i32
    %c0_i32_0 = arith.constant 0 : i32
    return %arg0, %c0_i32, %arg1 : i32, i32, i32
  }
}

</mosaic_0001>

<sc_bundles>
// kernel: kernel.4.cloned.1.call-start
scs
__scs_entry_jumppad:
0x0: {  	(pc) =	sbr.rel $0x88, $3  }
0x1: {  	(tag) =	ssettag $0x0;
	lr =	simm.s32 $0x1  }
0x2: {  	[smem:$0x3F9D] =	sst lr;
	_ =	strace $0xD0000000  }
0x3: {  	_ = 	snop  }
0x4: {  	_ = 	snop  }
0x5: {  	_ = 	snop  }
0x6: {  	_ = 	snop  }
0x7: {  	_ = 	snop  }
__scs_overlays_trampoline_lowered:
0x8: {  	[smem:$0x3FAC] =	sst s0  }
0x9: {  	[smem:$0x3FAD] =	sst s1  }
0xa: {  	[smem:$0x3FAE] =	sst s2  }
0xb: {  	[smem:$0x3FAF] =	sst s3  }
0xc: {  	[smem:$0x3FB0] =	sst s4  }
0xd: {  	[smem:$0x3FB1] =	sst s5  }
0xe: {  	[smem:$0x3FB2] =	sst s6  }
0xf: {  	[smem:$0x3FB3] =	sst s7  }
0x10: {  	[smem:$0x3FB4] =	sst s8  }
0x11: {  	[smem:$0x3FB5] =	sst s9;
	s0 =	simm.s32 @!p0 $0x0  }
0x12: {  	s1 =	sld [smem:$0x3F9B];
	s0 =	simm.s32 @p0 $0x1  }
0x13: {  	[smem:$0x3FB6] =	sst s0;
	s0 =	simm.s32 @!p1 $0x0  }
0x14: {  	s2 =	sld [smem:$0x3F9A];
	s0 =	simm.s32 @p1 $0x1  }
0x15: {  	[smem:$0x3FB7] =	sst s0;
	s0 =	simm.s32 @!p2 $0x0  }
0x16: {  	s3 =	sld [smem:$0x3FDB];
	s0 =	simm.s32 @p2 $0x1  }
0x17: {  	s4 =	simm.s32 $0x1BF5;
	[smem:$0x3FB9] =	sst s0  }
0x18: {  	s0 =	sld [smem:$0x3F9C];
	_ =	swait.ge [sflag:s4], $0x0  }
0x19: {  	s7 =	sld [smem:$0x3F9D]  }
0x1a: {  	s8 =	sadd.s32 $0xFFFFE003, lr  }
0x1b: {  	s9 =	sadd.s32 $0xFFFFFEF7, lr;
	s5 =	simm.s32 $0xFFFFFFFF;
	p2 =	slt.u32 s8, $0xFFFFF086  }
0x1c: {  	p1 =	slt.u32 s9, $0xF7A;
	s5 =	simm.s32 @!p2 $0x0  }
0x1d: {  	s5 =	simm.s32 @p1 $0x1;
	p0 =	seq.s32 s7, s2  }
0x1e: {  	s7 =	smul.u32 @!p0 $0xF7A, s2;
	p2 =	seq.s32 @!p0 s5, $0x0  }
0x1f: {  	s9 =	smul.u32 $0xF7A, s1;
	s8 =	simm.s32 @!p0 $0x1BF5;
	p2 =	por !p2, p0  }
0x20: {  	[sflag:s8] =	ssyncset.s32 @!p0 $0xFFFFF086;
	s6 =	sadd.s32 @!p0 s3, s7;
	s7 =	simm.s32 @!p0 $0x108  }
0x21: {  	s3 =	sadd.s32 s3, s9;
	s6 =	sadd.s32 @!p0 $0x88, s6;
	s7 =	simm.s32 @p2 $0x1082  }
0x22: {  	[simem:s7], [sflag:s8] =	dma.local @!p0 [hbm:s6], $0xF7A  }
0x23: {  	s9 =	sor.u32 $0xD0000000, s2;
	s6 =	simm.s32 $0x108;
	_ =	swait.ge @!p0 [sflag:s8], $0x0  }
0x24: {  	s3 =	sadd.s32 $0x88, s3;
	s6 =	simm.s32 @!p1 $0x1082;
	[sflag:s4] =	ssyncset.s32 $0xFFFFF086  }
0x25: {  	[simem:s6], [sflag:s4] =	dma.local [hbm:s3], $0xF7A  }
0x26: {  	[smem:$0x3F9D] =	sst s1;
	(tag) =	ssettag s2;
	_ =	strace s9  }
0x27: {  	s1 =	sld [smem:$0x3FAD]  }
0x28: {  	s2 =	sld [smem:$0x3FAE]  }
0x29: {  	s4 =	sld [smem:$0x3FB0]  }
0x2a: {  	p0 =	seq.s32 s5, $0x0;
	s5 =	sld [smem:$0x3FB1]  }
0x2b: {  	s6 =	sld [smem:$0x3FB2]  }
0x2c: {  	s7 =	sld [smem:$0x3FB3]  }
0x2d: {  	s3 =	simm.s32 $0x108;
	s8 =	sld [smem:$0x3FB4]  }
0x2e: {  	s3 =	simm.s32 @!p0 $0x1082;
	s9 =	sld [smem:$0x3FB5]  }
0x2f: {  	lr =	sadd.s32 s0, s3;
	s0 =	sld [smem:$0x3FAC]  }
0x30: {  	s3 =	sld [smem:$0x3FAF]  }
0x31: {  	[smem:$0x3FB8] =	sst s10  }
0x32: {  	s10 =	sld [smem:$0x3FB6];
	_ =	sdelay $0x3  }
0x33: {  	p0 =	seq.s32 s10, $0x1;
	s10 =	sld [smem:$0x3FB8];
	_ =	sdelay $0x3  }
0x34: {  	[smem:$0x3FB8] =	sst s10  }
0x35: {  	s10 =	sld [smem:$0x3FB7];
	_ =	sdelay $0x3  }
0x36: {  	p1 =	seq.s32 s10, $0x1;
	s10 =	sld [smem:$0x3FB8];
	_ =	sdelay $0x3  }
0x37: {  	[smem:$0x3FB8] =	sst s10  }
0x38: {  	s10 =	sld [smem:$0x3FB9]  }
0x39: {  	_ = 	snop;
	(pc) =	sbr.ind lr, $3  }
0x3a: {  	_ = 	snop  }
0x3b: {  	_ = 	snop  }
0x3c: {  	p2 =	seq.s32 s10, $0x1;
	s10 =	sld [smem:$0x3FB8]  }
0x3d: {  	_ =	shalt  }
0x3e: {  	_ =	shalt  }
0x3f: {  	_ =	shalt  }
0x40: {  	_ =	shalt  }
0x41: {  	_ =	shalt  }
0x42: {  	_ =	shalt  }
0x43: {  	_ =	shalt  }
0x44: {  	_ =	shalt  }
0x45: {  	_ =	shalt  }
0x46: {  	_ =	shalt  }
0x47: {  	_ =	shalt  }
0x48: {  	_ =	shalt  }
0x49: {  	_ =	shalt  }
0x4a: {  	_ =	shalt  }
0x4b: {  	_ =	shalt  }
0x4c: {  	_ =	shalt  }
0x4d: {  	_ =	shalt  }
0x4e: {  	_ =	shalt  }
0x4f: {  	_ =	shalt  }
0x50: {  	_ =	shalt  }
0x51: {  	_ =	shalt  }
0x52: {  	_ =	shalt  }
0x53: {  	_ =	shalt  }
0x54: {  	_ =	shalt  }
0x55: {  	_ =	shalt  }
0x56: {  	_ =	shalt  }
0x57: {  	_ =	shalt  }
0x58: {  	_ =	shalt  }
0x59: {  	_ =	shalt  }
0x5a: {  	_ =	shalt  }
0x5b: {  	_ =	shalt  }
0x5c: {  	_ =	shalt  }
0x5d: {  	_ =	shalt  }
0x5e: {  	_ =	shalt  }
0x5f: {  	_ =	shalt  }
0x60: {  	_ =	shalt  }
0x61: {  	_ =	shalt  }
0x62: {  	_ =	shalt  }
0x63: {  	_ =	shalt  }
0x64: {  	_ =	shalt  }
0x65: {  	_ =	shalt  }
0x66: {  	_ =	shalt  }
0x67: {  	_ =	shalt  }
0x68: {  	_ =	shalt  }
0x69: {  	_ =	shalt  }
0x6a: {  	_ =	shalt  }
0x6b: {  	_ =	shalt  }
0x6c: {  	_ =	shalt  }
0x6d: {  	_ =	shalt  }
0x6e: {  	_ =	shalt  }
0x6f: {  	_ =	shalt  }
0x70: {  	_ =	shalt  }
0x71: {  	_ =	shalt  }
0x72: {  	_ =	shalt  }
0x73: {  	_ =	shalt  }
0x74: {  	_ =	shalt  }
0x75: {  	_ =	shalt  }
0x76: {  	_ =	shalt  }
0x77: {  	_ =	shalt  }
0x78: {  	_ =	shalt  }
0x79: {  	_ =	shalt  }
0x7a: {  	_ =	shalt  }
0x7b: {  	_ =	shalt  }
0x7c: {  	_ =	shalt  }
0x7d: {  	_ =	shalt  }
0x7e: {  	_ =	shalt  }
0x7f: {  	_ =	shalt  }
0x80: {  	_ =	shalt  }
0x81: {  	_ =	shalt  }
0x82: {  	_ =	shalt  }
0x83: {  	_ =	shalt  }
0x84: {  	_ =	shalt  }
0x85: {  	_ =	shalt  }
0x86: {  	_ =	shalt  }
0x87: {  	_ =	shalt  }
.Lfunc_end0:
.L_simem_size_0:
called_computation_lowered:
.L_overlay_start_0:
0x88: {  	s2 =	sld [smem:$0x3FD9]  }
0x89: {  	s3 =	sld [smem:$0x3FFE];
	_ =	sdelay $0x1  }
0x8a: {  	s1 =	srdreg.scid  }
0x8b: {  	s0 =	sand.u32 $0x1, s1  }
0x8c: {  	s17 =	sshll.u32 s0, $0xA;
	s2 =	sadd.s32 s3, s2  }
0x8d: {  	s2 =	sadd.s32 s2, s17  }
0x8e: {  	[smem:$0x3FC4] =	sst s2  }
0x8f: {  	_ = 	snop  }
0x90: {  	s2 =	sld [smem:$0x3FD0];
	(tm) =	ssettm $0x1  }
0x91: {  	s18 =	sld [smem:$0x3FFB];
	_ =	sdelay $0x3  }
0x92: {  	_ =	strace s18  }
0x93: {  	s3 =	sld [smem:$0x3FFC];
	_ =	sdelay $0x3  }
0x94: {  	_ =	strace s3  }
0x95: {  	s3 =	sld [smem:$0x3FFD];
	_ =	sdelay $0x3  }
0x96: {  	_ =	strace s3  }
0x97: {  	_ =	strace $0x8FFFFFFF  }
0x98: {  	s19 =	sld [smem:$0x3FDB];
	_ =	sdelay $0x1  }
0x99: {  	s4 =	simm.s32 $_scs_section_size  }
0x9a: {  	s5 =	simm.s32 $_size__tile_overlayer_lowered;
	s6 =	simm.s32 $_tile_overlayer_lowered  }
0x9b: {  	s22 =	simm.s32 $0x1BFF;
	s21 =	sshll.u32 s6, $0x1;
	s3 =	sadd.s32 s4, s19  }
0x9c: {  	s7 =	simm.s32 $0x0;
	s20 =	sshll.u32 s5, $0x1;
	s5 =	sadd.s32 s21, s3  }
0x9d: {  	[timem:s7], [sflag:s22] =	dma.local [hbm:s5], s20  }
0x9e: {  	_ =	swait.ge [sflag:s22], s20  }
0x9f: {  	s4 =	ssub.s32 $0x0, s20;
	[sflag:s22] =	ssyncset.done $0x0  }
0xa0: {  	[sflag:s22] =	ssyncadd.s32 s4;
	_ =	sdelay $0x1  }
0xa1: {  	s23 =	simm.s32 $0x1B8B  }
0xa2: {  	_ =	swait.ge [sflag:s23], $0x1  }
0xa3: {  	[sflag:s23] =	ssyncset.done $0x0  }
0xa4: {  	s25 =	simm.s32 $0x1B8E;
	s24 =	sld [smem:$0x3FFE];
	[sflag:s23] =	ssyncadd.s32 $0xFFFFFFFF  }
0xa5: {  	s26 =	simm.s32 $execute0_lowered;
	[smem:$0x3FD2] =	sst s25  }
0xa6: {  	s5 =	sshll.u32 s26, $0x1;
	_ =	strace $0x80000046;
	[dreg:$0x1] =	wrdreg $0xFFFFFFFF  }
0xa7: {  	s28 =	simm.s32 $_size_execute0_lowered;
	s3 =	sadd.s32 s3, s5;
	[dreg:$0x0] =	wrdreg $0x0  }
0xa8: {  	s5 =	sshll.u32 s28, $0x1;
	[dreg:$0x2] =	wrdreg s3  }
0xa9: {  	[dreg:$0x3] =	wrdreg s5  }
0xaa: {  	[dreg:$0x4] =	wrdreg $0xC0  }
0xab: {  	_ =	task [dreg:s7], $0x5FFFF  }
0xac: {  	[dreg:$0x1] =	wrdreg $0xFFFFFFFF  }
0xad: {  	[dreg:$0x0] =	wrdreg $0x60  }
0xae: {  	[dreg:$0x2] =	wrdreg s24  }
0xaf: {  	[dreg:$0x3] =	wrdreg s2  }
0xb0: {  	[dreg:$0x4] =	wrdreg $0x9  }
0xb1: {  	_ =	task.clear_ibuf [dreg:s7], $0x5FFFF;
	_ =	strace $0x90000046  }
0xb2: {  	s29 =	simm.s32 $0x9;
	_ =	strace $0x80000048  }
0xb3: {  	_ =	swait.ge [sflag:s29], $0x1  }
0xb4: {  	[sflag:s29] =	ssyncadd.s32 $0xFFFFFFFF  }
0xb5: {  	_ =	strace $0x90000048  }
0xb6: {  	_ =	sfence  }
0xb7: {  	s30 =	sld [smem:$0x0];
	_ =	sdelay $0x2  }
0xb8: {  	s31 =	sshll.u32 s1, $0xD;
	s1 =	sshrl.u32 s1, $0x2  }
0xb9: {  	s3 =	sand.u32 $0x4000, s31;
	s1 =	sadd.s32 s1, s30  }
0xba: {  	s0 =	sor.u32 s3, s0;
	s1 =	sshll.u32 s1, $0x11  }
0xbb: {  	s0 =	sor.u32 s1, s0  }
0xbc: {  	s0 =	sadd.s32 $0x8F2B, s0  }
0xbd: {  	[sflag:s0] =	ssyncadd.remote.s32 $0x1  }
0xbe: {  	_ =	sfence.sel $0xFFFF  }
0xbf: {  	[dreg:$0x0] =	wrdreg $0xFFFFFFFF;
	(pc) =	sbr.abs _section_cstart, $3  }
0xc0: {  	[dreg:$0x1] =	wrdreg $0xFFFFFFFF  }
0xc1: {  	_ =	task.clear_ibuf [dreg:s7], $0x2FFFF;
	_ =	strace $0x9FFFFFFF  }
0xc2: {  	(tm) =	ssettm $0x7FFFFFFF  }
0xc3: {  	_ =	shalt  }
tec
execute0_lowered:
.L_overlay_start_1:
0x0: {  	(tag) =	ssettag $0x1  }
0x1: {  	s1 =	srdreg.scid  }
0x2: {  	s0 =	stileid.u32;
	s4 =	rddreg [dreg:$0x0]  }
0x3: {  	s7 =	rddreg [dreg:$0x1];
	s11 =	simm.s32 $0x600;
	s12 =	simm.s32 $0x700  }
0x4: {  	s13 =	simm.s32 $0x80;
	s14 =	simm.s32 $0x800;
	s1 =	sand.u32 $0x1, s1  }
0x5: {  	s15 =	simm.s32 $0x1800;
	s2 =	sshll.u32 s0, $0xB;
	s3 =	sshll.u32 s1, $0xA  }
0x6: {  	v0 =	vlaneseq.u32;
	s16 =	simm.s32 $0x100;
	s17 =	simm.s32 $0x2800;
	s3 =	sor.u32 s3, s2  }
0x7: {  	s28 =	simm.s32 $0x7;
	v0 =	vmul.u32 $0x4, v0;
	p1 =	seq.s32 s1, $0x1;
	p0 =	seq.s32 s3, $0x0  }
0x8: {  	s29 =	simm.s32 $0x300;
	s30 =	simm.s32 $0x4;
	p0 =	por !p0, !p1  }
0x9: {  	s31 =	simm.s32 $0x8;
	s2 =	simm.s32 $0xFFFFFFFF;
	v1 =	vor.u32 $0x40, v0;
	v3 =	vor.u32 $0xC0, v0;
	v4 =	vor.u32 $0x100, v0;
	p0 =	por !p0, !p0  }
0xa: {  	s9 =	sadd.s32 $0x600, s4;
	s1 =	ssub.s32 $0x2, s1;
	v5 =	vor.u32 $0x140, v0;
	v6 =	vor.u32 $0x180, v0;
	v7 =	vor.u32 $0x1C0, v0;
	s2 =	simm.s32 @!p0 $0x0  }
0xb: {  	s4 =	sadd.s32 $0x1600, s4;
	v8 =	vor.u32 $0x200, v0;
	v9 =	vor.u32 $0x240, v0;
	v10 =	vor.u32 $0x280, v0;
	s25 =	sshrl.u32 s1, $0x1;
	s2 =	sshll.u32 s2, $0xB  }
0xc: {  	v11 =	vor.u32 $0x2C0, v0;
	v12 =	vor.u32 $0x300, v0;
	v13 =	vor.u32 $0x340, v0;
	s1 =	ssub.s32 s1, s25;
	s5 =	sadd.s32 s3, s2;
	s2 =	simm.s32 $0x0  }
0xd: {  	v14 =	vor.u32 $0x380, v0;
	v15 =	vor.u32 $0x3C0, v0;
	v16 =	vor.u32 $0x1, v0;
	s25 =	simm.s32 $0x280;
	s6 =	sand.u32 $0xFFFFF800, s5;
	[smem:$0x7FF] =	sst s2  }
0xe: {  	v17 =	vor.u32 $0x41, v0;
	v18 =	vor.u32 $0x81, v0;
	v19 =	vor.u32 $0xC1, v0;
	s19 =	sor.u32 $0x400, s5;
	s5 =	sor.u32 $0x600, s5;
	s18 =	ssub.s32 s3, s6  }
0xf: {  	v20 =	vor.u32 $0x101, v0;
	v21 =	vor.u32 $0x141, v0;
	v22 =	vor.u32 $0x181, v0;
	_ =	strace $0x80000047;
	s3 =	sshll.u32 s3, $0x2;
	s8 =	sshra.s32 s18, $0x2  }
0x10: {  	v23 =	vor.u32 $0x1C1, v0;
	v24 =	vor.u32 $0x201, v0;
	v25 =	vor.u32 $0x241, v0;
	s3 =	sadd.s32 s7, s3;
	s7 =	smax.u32 s1, $0x1;
	s18 =	simm.s32 $0x180  }
0x11: {  	v26 =	vor.u32 $0x281, v0;
	v27 =	vor.u32 $0x2C1, v0;
	v28 =	vor.u32 $0x301, v0;
	s1 =	simm.s32 $0x380;
	s6 =	sadd.s32 s6, s8;
	s21 =	sadd.s32 $0x200, s3  }
0x12: {  	v29 =	vor.u32 $0x341, v0;
	v30 =	vor.u32 $0x381, v0;
	v31 =	vor.u32 $0x3C1, v0;
	s5 =	sadd.s32 s5, s8;
	s22 =	sadd.s32 $0x400, s3;
	[dreg:$0x7] =	wrdreg s21  }
0x13: {  	v32 =	vor.u32 $0x2, v0;
	v33 =	vor.u32 $0x42, v0;
	v34 =	vor.u32 $0x82, v0;
	s23 =	sadd.s32 $0x600, s3;
	s24 =	sadd.s32 $0x800, s3;
	[dreg:$0x8] =	wrdreg s22  }
0x14: {  	v35 =	vor.u32 $0xC2, v0;
	v36 =	vor.u32 $0x102, v0;
	v37 =	vor.u32 $0x142, v0;
	s26 =	sadd.s32 $0xA00, s3;
	s10 =	sshrl.u32 s6, $0x3;
	[dreg:$0x9] =	wrdreg s23  }
0x15: {  	v38 =	vor.u32 $0x182, v0;
	v39 =	vor.u32 $0x1C2, v0;
	v40 =	vor.u32 $0x202, v0;
	s6 =	sadd.s32 $0x200, s6;
	s5 =	sshrl.u32 s5, $0x3;
	[dreg:$0xa] =	wrdreg s24  }
0x16: {  	v41 =	vor.u32 $0x242, v0;
	v42 =	vor.u32 $0x282, v0;
	v43 =	vor.u32 $0x2C2, v0;
	[dreg:$0xb] =	wrdreg s26;
	s21 =	simm.s32 $0x5;
	s22 =	simm.s32 $0x200  }
0x17: {  	v44 =	vor.u32 $0x302, v0;
	v45 =	vor.u32 $0x342, v0;
	v46 =	vor.u32 $0x382, v0;
	s23 =	simm.s32 $0x2;
	s24 =	simm.s32 $0x6;
	s26 =	simm.s32 $0x3  }
0x18: {  	v47 =	vor.u32 $0x3C2, v0;
	v48 =	vor.u32 $0x3, v0;
	v49 =	vor.u32 $0x43, v0;
	s10 =	sadd.s32 s9, s10;
	s6 =	sshrl.u32 s6, $0x3;
	s5 =	sadd.s32 s9, s5  }
0x19: {  	v50 =	vor.u32 $0x83, v0;
	v51 =	vor.u32 $0xC3, v0;
	v52 =	vor.u32 $0x103, v0;
	[dreg:$0x3] =	wrdreg s10;
	s6 =	sadd.s32 s9, s6;
	s10 =	sadd.s32 s19, s8  }
0x1a: {  	v53 =	vor.u32 $0x143, v0;
	v54 =	vor.u32 $0x183, v0;
	v55 =	vor.u32 $0x1C3, v0;
	[dreg:$0x6] =	wrdreg s5;
	s5 =	sadd.s32 $0xC00, s3;
	s8 =	simm.s32 $0x400  }
0x1b: {  	v56 =	vor.u32 $0x203, v0;
	v57 =	vor.u32 $0x243, v0;
	v58 =	vor.u32 $0x283, v0;
	s19 =	simm.s32 $0x3800;
	[dreg:$0x4] =	wrdreg s6;
	s20 =	sshrl.u32 s10, $0x3  }
0x1c: {  	v59 =	vor.u32 $0x2C3, v0;
	v60 =	vor.u32 $0x303, v0;
	[tilespmem:$0x1FFE0] =	vst v1;
	v1 =	vor.u32 $0x80, v0;
	s10 =	simm.s32 $0x500;
	s6 =	sadd.s32 s9, s20;
	s9 =	simm.s32 $0x9  }
0x1d: {  	v61 =	vor.u32 $0x343, v0;
	v62 =	vor.u32 $0x383, v0;
	v63 =	vor.u32 $0x3C3, v0;
	[tilespmem:$0x1FFF0] =	vst v1;
	s20 =	simm.s32 $0x1;
	[dreg:$0x5] =	wrdreg s6;
	s6 =	sadd.s32 $0xE00, s3  }
.LBB2_1:
0x1e: {  	s0 =	rddreg [dreg:$0x3]  }
0x1f: {  	[tilespmem:s8], [sflag:$0x9] =	stream.linear.gather [hbm4b:s0+s2], $0x100, $0x38;
	[tilespmem:$0x4800] =	vst v63  }
0x20: {  	_ =	swait.ge [sflag:s9], $0x100  }
0x21: {  	[sflag:s9] =	ssyncset.done $0x0  }
0x22: {  	s0 =	rddreg [dreg:$0x4];
	[sflag:s9] =	ssyncadd.s32 $0xFFFFFF00  }
0x23: {  	[tilespmem:s10], [sflag:$0x9] =	stream.linear.gather [hbm4b:s0+s2], $0x100, $0x38;
	[tilespmem:$0x4800] =	vst v63  }
0x24: {  	_ =	swait.ge [sflag:s9], $0x100  }
0x25: {  	[sflag:s9] =	ssyncset.done $0x0  }
0x26: {  	s0 =	rddreg [dreg:$0x5];
	[sflag:s9] =	ssyncadd.s32 $0xFFFFFF00  }
0x27: {  	[tilespmem:s11], [sflag:$0x9] =	stream.linear.gather [hbm4b:s0+s2], $0x100, $0x38;
	[tilespmem:$0x4800] =	vst v63  }
0x28: {  	_ =	swait.ge [sflag:s9], $0x100  }
0x29: {  	[sflag:s9] =	ssyncset.done $0x0  }
0x2a: {  	s0 =	rddreg [dreg:$0x6];
	[sflag:s9] =	ssyncadd.s32 $0xFFFFFF00  }
0x2b: {  	[tilespmem:s12], [sflag:$0x9] =	stream.linear.gather [hbm4b:s0+s2], $0x100, $0x38;
	[tilespmem:$0x4800] =	vst v63  }
0x2c: {  	_ =	swait.ge [sflag:s9], $0x100  }
0x2d: {  	[sflag:s9] =	ssyncset.done $0x0  }
0x2e: {  	[sflag:s9] =	ssyncadd.s32 $0xFFFFFF00  }
0x2f: {  	v1 =	vld [tilespmem:$0x400];
	_ =	sdelay $0x2  }
0x30: {  	v2 =	vld [tilespmem:$0x1FFE0];
	_ =	sdelay $0x1  }
0x31: {  	[tilespmem:v0+s2+$0x0] =	vst.idx.msk $0xffff, v1  }
0x32: {  	v1 =	vld [tilespmem:$0x410];
	_ =	sdelay $0x4  }
0x33: {  	[tilespmem:v2+s2+$0x0] =	vst.idx.msk $0xffff, v1;
	v2 =	vld [tilespmem:$0x1FFF0];
	_ =	sdelay $0x2  }
0x34: {  	v1 =	vld [tilespmem:$0x420];
	_ =	sdelay $0x4  }
0x35: {  	[tilespmem:v2+s2+$0x0] =	vst.idx.msk $0xffff, v1  }
0x36: {  	v1 =	vld [tilespmem:$0x430];
	_ =	sdelay $0x4  }
0x37: {  	[tilespmem:v3+s2+$0x0] =	vst.idx.msk $0xffff, v1  }
0x38: {  	v1 =	vld [tilespmem:$0x440];
	_ =	sdelay $0x4  }
0x39: {  	[tilespmem:v4+s2+$0x0] =	vst.idx.msk $0xffff, v1  }
0x3a: {  	v1 =	vld [tilespmem:$0x450];
	_ =	sdelay $0x4  }
0x3b: {  	[tilespmem:v5+s2+$0x0] =	vst.idx.msk $0xffff, v1  }
0x3c: {  	v1 =	vld [tilespmem:$0x460];
	_ =	sdelay $0x4  }
0x3d: {  	[tilespmem:v6+s2+$0x0] =	vst.idx.msk $0xffff, v1  }
0x3e: {  	v1 =	vld [tilespmem:$0x470];
	_ =	sdelay $0x4  }
0x3f: {  	[tilespmem:v7+s2+$0x0] =	vst.idx.msk $0xffff, v1  }
0x40: {  	v1 =	vld [tilespmem:$0x480];
	_ =	sdelay $0x4  }
0x41: {  	[tilespmem:v8+s2+$0x0] =	vst.idx.msk $0xffff, v1  }
0x42: {  	v1 =	vld [tilespmem:$0x490];
	_ =	sdelay $0x4  }
0x43: {  	[tilespmem:v9+s2+$0x0] =	vst.idx.msk $0xffff, v1  }
0x44: {  	v1 =	vld [tilespmem:$0x4A0];
	_ =	sdelay $0x4  }
0x45: {  	[tilespmem:v10+s2+$0x0] =	vst.idx.msk $0xffff, v1  }
0x46: {  	v1 =	vld [tilespmem:$0x4B0];
	_ =	sdelay $0x4  }
0x47: {  	[tilespmem:v11+s2+$0x0] =	vst.idx.msk $0xffff, v1  }
0x48: {  	v1 =	vld [tilespmem:$0x4C0];
	_ =	sdelay $0x4  }
0x49: {  	[tilespmem:v12+s2+$0x0] =	vst.idx.msk $0xffff, v1  }
0x4a: {  	v1 =	vld [tilespmem:$0x4D0];
	_ =	sdelay $0x4  }
0x4b: {  	[tilespmem:v13+s2+$0x0] =	vst.idx.msk $0xffff, v1  }
0x4c: {  	v1 =	vld [tilespmem:$0x4E0];
	_ =	sdelay $0x4  }
0x4d: {  	[tilespmem:v14+s2+$0x0] =	vst.idx.msk $0xffff, v1  }
0x4e: {  	v1 =	vld [tilespmem:$0x4F0];
	_ =	sdelay $0x4  }
0x4f: {  	[tilespmem:v15+s2+$0x0] =	vst.idx.msk $0xffff, v1  }
0x50: {  	v1 =	vld [tilespmem:$0x500];
	_ =	sdelay $0x4  }
0x51: {  	[tilespmem:v16+s2+$0x0] =	vst.idx.msk $0xffff, v1  }
0x52: {  	v1 =	vld [tilespmem:$0x510];
	_ =	sdelay $0x4  }
0x53: {  	[tilespmem:v17+s2+$0x0] =	vst.idx.msk $0xffff, v1  }
0x54: {  	v1 =	vld [tilespmem:$0x520];
	_ =	sdelay $0x4  }
0x55: {  	[tilespmem:v18+s2+$0x0] =	vst.idx.msk $0xffff, v1  }
0x56: {  	v1 =	vld [tilespmem:$0x530];
	_ =	sdelay $0x4  }
0x57: {  	[tilespmem:v19+s2+$0x0] =	vst.idx.msk $0xffff, v1  }
0x58: {  	v1 =	vld [tilespmem:$0x540];
	_ =	sdelay $0x4  }
0x59: {  	[tilespmem:v20+s2+$0x0] =	vst.idx.msk $0xffff, v1  }
0x5a: {  	v1 =	vld [tilespmem:$0x550];
	_ =	sdelay $0x4  }
0x5b: {  	[tilespmem:v21+s2+$0x0] =	vst.idx.msk $0xffff, v1  }
0x5c: {  	v1 =	vld [tilespmem:$0x560];
	_ =	sdelay $0x4  }
0x5d: {  	[tilespmem:v22+s2+$0x0] =	vst.idx.msk $0xffff, v1  }
0x5e: {  	v1 =	vld [tilespmem:$0x570];
	_ =	sdelay $0x4  }
0x5f: {  	[tilespmem:v23+s2+$0x0] =	vst.idx.msk $0xffff, v1  }
0x60: {  	v1 =	vld [tilespmem:$0x580];
	_ =	sdelay $0x4  }
0x61: {  	[tilespmem:v24+s2+$0x0] =	vst.idx.msk $0xffff, v1  }
0x62: {  	v1 =	vld [tilespmem:$0x590];
	_ =	sdelay $0x4  }
0x63: {  	[tilespmem:v25+s2+$0x0] =	vst.idx.msk $0xffff, v1  }
0x64: {  	v1 =	vld [tilespmem:$0x5A0];
	_ =	sdelay $0x4  }
0x65: {  	[tilespmem:v26+s2+$0x0] =	vst.idx.msk $0xffff, v1  }
0x66: {  	v1 =	vld [tilespmem:$0x5B0];
	_ =	sdelay $0x4  }
0x67: {  	[tilespmem:v27+s2+$0x0] =	vst.idx.msk $0xffff, v1  }
0x68: {  	v1 =	vld [tilespmem:$0x5C0];
	_ =	sdelay $0x4  }
0x69: {  	[tilespmem:v28+s2+$0x0] =	vst.idx.msk $0xffff, v1  }
0x6a: {  	v1 =	vld [tilespmem:$0x5D0];
	_ =	sdelay $0x4  }
0x6b: {  	[tilespmem:v29+s2+$0x0] =	vst.idx.msk $0xffff, v1  }
0x6c: {  	v1 =	vld [tilespmem:$0x5E0];
	_ =	sdelay $0x4  }
0x6d: {  	[tilespmem:v30+s2+$0x0] =	vst.idx.msk $0xffff, v1  }
0x6e: {  	v1 =	vld [tilespmem:$0x5F0];
	_ =	sdelay $0x4  }
0x6f: {  	[tilespmem:v31+s2+$0x0] =	vst.idx.msk $0xffff, v1  }
0x70: {  	v1 =	vld [tilespmem:$0x600];
	_ =	sdelay $0x4  }
0x71: {  	[tilespmem:v32+s2+$0x0] =	vst.idx.msk $0xffff, v1  }
0x72: {  	v1 =	vld [tilespmem:$0x610];
	_ =	sdelay $0x4  }
0x73: {  	[tilespmem:v33+s2+$0x0] =	vst.idx.msk $0xffff, v1  }
0x74: {  	v1 =	vld [tilespmem:$0x620];
	_ =	sdelay $0x4  }
0x75: {  	[tilespmem:v34+s2+$0x0] =	vst.idx.msk $0xffff, v1  }
0x76: {  	v1 =	vld [tilespmem:$0x630];
	_ =	sdelay $0x4  }
0x77: {  	[tilespmem:v35+s2+$0x0] =	vst.idx.msk $0xffff, v1  }
0x78: {  	v1 =	vld [tilespmem:$0x640];
	_ =	sdelay $0x4  }
0x79: {  	[tilespmem:v36+s2+$0x0] =	vst.idx.msk $0xffff, v1  }
0x7a: {  	v1 =	vld [tilespmem:$0x650];
	_ =	sdelay $0x4  }
0x7b: {  	[tilespmem:v37+s2+$0x0] =	vst.idx.msk $0xffff, v1  }
0x7c: {  	v1 =	vld [tilespmem:$0x660];
	_ =	sdelay $0x4  }
0x7d: {  	[tilespmem:v38+s2+$0x0] =	vst.idx.msk $0xffff, v1  }
0x7e: {  	v1 =	vld [tilespmem:$0x670];
	_ =	sdelay $0x4  }
0x7f: {  	[tilespmem:v39+s2+$0x0] =	vst.idx.msk $0xffff, v1  }
0x80: {  	v1 =	vld [tilespmem:$0x680];
	_ =	sdelay $0x4  }
0x81: {  	[tilespmem:v40+s2+$0x0] =	vst.idx.msk $0xffff, v1  }
0x82: {  	v1 =	vld [tilespmem:$0x690];
	_ =	sdelay $0x4  }
0x83: {  	[tilespmem:v41+s2+$0x0] =	vst.idx.msk $0xffff, v1  }
0x84: {  	v1 =	vld [tilespmem:$0x6A0];
	_ =	sdelay $0x4  }
0x85: {  	[tilespmem:v42+s2+$0x0] =	vst.idx.msk $0xffff, v1  }
0x86: {  	v1 =	vld [tilespmem:$0x6B0];
	_ =	sdelay $0x4  }
0x87: {  	[tilespmem:v43+s2+$0x0] =	vst.idx.msk $0xffff, v1  }
0x88: {  	v1 =	vld [tilespmem:$0x6C0];
	_ =	sdelay $0x4  }
0x89: {  	[tilespmem:v44+s2+$0x0] =	vst.idx.msk $0xffff, v1  }
0x8a: {  	v1 =	vld [tilespmem:$0x6D0];
	_ =	sdelay $0x4  }
0x8b: {  	[tilespmem:v45+s2+$0x0] =	vst.idx.msk $0xffff, v1  }
0x8c: {  	v1 =	vld [tilespmem:$0x6E0];
	_ =	sdelay $0x4  }
0x8d: {  	[tilespmem:v46+s2+$0x0] =	vst.idx.msk $0xffff, v1  }
0x8e: {  	v1 =	vld [tilespmem:$0x6F0];
	_ =	sdelay $0x4  }
0x8f: {  	[tilespmem:v47+s2+$0x0] =	vst.idx.msk $0xffff, v1  }
0x90: {  	v1 =	vld [tilespmem:$0x700];
	_ =	sdelay $0x4  }
0x91: {  	[tilespmem:v48+s2+$0x0] =	vst.idx.msk $0xffff, v1  }
0x92: {  	v1 =	vld [tilespmem:$0x710];
	_ =	sdelay $0x4  }
0x93: {  	[tilespmem:v49+s2+$0x0] =	vst.idx.msk $0xffff, v1  }
0x94: {  	v1 =	vld [tilespmem:$0x720];
	_ =	sdelay $0x4  }
0x95: {  	[tilespmem:v50+s2+$0x0] =	vst.idx.msk $0xffff, v1  }
0x96: {  	v1 =	vld [tilespmem:$0x730];
	_ =	sdelay $0x4  }
0x97: {  	[tilespmem:v51+s2+$0x0] =	vst.idx.msk $0xffff, v1  }
0x98: {  	v1 =	vld [tilespmem:$0x740];
	_ =	sdelay $0x4  }
0x99: {  	[tilespmem:v52+s2+$0x0] =	vst.idx.msk $0xffff, v1  }
0x9a: {  	v1 =	vld [tilespmem:$0x750];
	_ =	sdelay $0x4  }
0x9b: {  	[tilespmem:v53+s2+$0x0] =	vst.idx.msk $0xffff, v1  }
0x9c: {  	v1 =	vld [tilespmem:$0x760];
	_ =	sdelay $0x4  }
0x9d: {  	[tilespmem:v54+s2+$0x0] =	vst.idx.msk $0xffff, v1  }
0x9e: {  	v1 =	vld [tilespmem:$0x770];
	_ =	sdelay $0x4  }
0x9f: {  	[tilespmem:v55+s2+$0x0] =	vst.idx.msk $0xffff, v1  }
0xa0: {  	v1 =	vld [tilespmem:$0x780];
	_ =	sdelay $0x4  }
0xa1: {  	[tilespmem:v56+s2+$0x0] =	vst.idx.msk $0xffff, v1  }
0xa2: {  	v1 =	vld [tilespmem:$0x790];
	_ =	sdelay $0x4  }
0xa3: {  	[tilespmem:v57+s2+$0x0] =	vst.idx.msk $0xffff, v1  }
0xa4: {  	v1 =	vld [tilespmem:$0x7A0];
	_ =	sdelay $0x4  }
0xa5: {  	[tilespmem:v58+s2+$0x0] =	vst.idx.msk $0xffff, v1  }
0xa6: {  	v1 =	vld [tilespmem:$0x7B0];
	_ =	sdelay $0x4  }
0xa7: {  	[tilespmem:v59+s2+$0x0] =	vst.idx.msk $0xffff, v1  }
0xa8: {  	v1 =	vld [tilespmem:$0x7C0];
	_ =	sdelay $0x4  }
0xa9: {  	[tilespmem:v60+s2+$0x0] =	vst.idx.msk $0xffff, v1  }
0xaa: {  	v1 =	vld [tilespmem:$0x7D0];
	_ =	sdelay $0x4  }
0xab: {  	[tilespmem:v61+s2+$0x0] =	vst.idx.msk $0xffff, v1  }
0xac: {  	v1 =	vld [tilespmem:$0x7E0];
	_ =	sdelay $0x4  }
0xad: {  	[tilespmem:v62+s2+$0x0] =	vst.idx.msk $0xffff, v1  }
0xae: {  	v1 =	vld [tilespmem:$0x7F0];
	_ =	sdelay $0x4  }
0xaf: {  	[tilespmem:v63+s2+$0x0] =	vst.idx.msk $0xffff, v1  }
0xb0: {  	[tilespmem:s14], [sflag:$0x1] =	stream.indirect.gather [hbm4b:s4+s13], $0x20, s2, s13, $0xb8;
	[tilespmem:$0x4800] =	vst v63  }
0xb1: {  	_ = 	snop  }
0xb2: {  	[tilespmem:s15], [sflag:$0x2] =	stream.indirect.gather [hbm4b:s4+s13], $0x20, s13, s13, $0xb8;
	[tilespmem:$0x4800] =	vst v63  }
0xb3: {  	_ = 	snop  }
0xb4: {  	[tilespmem:s17], [sflag:$0x3] =	stream.indirect.gather [hbm4b:s4+s13], $0x20, s16, s13, $0xb8;
	[tilespmem:$0x4800] =	vst v63  }
0xb5: {  	_ = 	snop  }
0xb6: {  	[tilespmem:s19], [sflag:$0x4] =	stream.indirect.gather [hbm4b:s4+s13], $0x20, s18, s13, $0xb8;
	[tilespmem:$0x4800] =	vst v63  }
0xb7: {  	_ =	swait.ge [sflag:s20], $0x1000  }
0xb8: {  	[sflag:s20] =	ssyncset.done $0x0  }
0xb9: {  	[sflag:s20] =	ssyncadd.s32 $0xFFFFF000  }
0xba: {  	[hbm4b:s3+s2] =	stream.linear.scatter [tilespmem:s14], [sflag:$0x5], $0x1000, $0x38;
	[tilespmem:$0x4800] =	vst v63  }
0xbb: {  	_ =	swait.ge [sflag:s21], $0x1000  }
0xbc: {  	[sflag:s21] =	ssyncset.done $0x0  }
0xbd: {  	[sflag:s21] =	ssyncadd.s32 $0xFFFFF000  }
0xbe: {  	[tilespmem:s14], [sflag:$0x1] =	stream.indirect.gather [hbm4b:s4+s13], $0x20, s22, s13, $0xb8;
	[tilespmem:$0x4800] =	vst v63  }
0xbf: {  	_ =	swait.ge [sflag:s23], $0x1000  }
0xc0: {  	[sflag:s23] =	ssyncset.done $0x0  }
0xc1: {  	s0 =	rddreg [dreg:$0x7];
	[sflag:s23] =	ssyncadd.s32 $0xFFFFF000  }
0xc2: {  	[hbm4b:s0+s2] =	stream.linear.scatter [tilespmem:s15], [sflag:$0x6], $0x1000, $0x38;
	[tilespmem:$0x4800] =	vst v63  }
0xc3: {  	_ =	swait.ge [sflag:s24], $0x1000  }
0xc4: {  	[sflag:s24] =	ssyncset.done $0x0  }
0xc5: {  	[sflag:s24] =	ssyncadd.s32 $0xFFFFF000  }
0xc6: {  	[tilespmem:s15], [sflag:$0x2] =	stream.indirect.gather [hbm4b:s4+s13], $0x20, s25, s13, $0xb8;
	[tilespmem:$0x4800] =	vst v63  }
0xc7: {  	_ =	swait.ge [sflag:s26], $0x1000  }
0xc8: {  	[sflag:s26] =	ssyncset.done $0x0  }
0xc9: {  	s0 =	rddreg [dreg:$0x8];
	[sflag:s26] =	ssyncadd.s32 $0xFFFFF000  }
0xca: {  	[hbm4b:s0+s2] =	stream.linear.scatter [tilespmem:s17], [sflag:$0x7], $0x1000, $0x38;
	[tilespmem:$0x4800] =	vst v63  }
0xcb: {  	_ =	swait.ge [sflag:s28], $0x1000  }
0xcc: {  	[sflag:s28] =	ssyncset.done $0x0  }
0xcd: {  	[sflag:s28] =	ssyncadd.s32 $0xFFFFF000  }
0xce: {  	[tilespmem:s17], [sflag:$0x3] =	stream.indirect.gather [hbm4b:s4+s13], $0x20, s29, s13, $0xb8;
	[tilespmem:$0x4800] =	vst v63  }
0xcf: {  	_ =	swait.ge [sflag:s30], $0x1000  }
0xd0: {  	[sflag:s30] =	ssyncset.done $0x0  }
0xd1: {  	s0 =	rddreg [dreg:$0x9];
	[sflag:s30] =	ssyncadd.s32 $0xFFFFF000  }
0xd2: {  	[hbm4b:s0+s2] =	stream.linear.scatter [tilespmem:s19], [sflag:$0x8], $0x1000, $0x38;
	[tilespmem:$0x4800] =	vst v63  }
0xd3: {  	_ =	swait.ge [sflag:s31], $0x1000  }
0xd4: {  	[sflag:s31] =	ssyncset.done $0x0  }
0xd5: {  	[sflag:s31] =	ssyncadd.s32 $0xFFFFF000  }
0xd6: {  	[tilespmem:s19], [sflag:$0x4] =	stream.indirect.gather [hbm4b:s4+s13], $0x20, s1, s13, $0xb8;
	[tilespmem:$0x4800] =	vst v63  }
0xd7: {  	_ =	swait.ge [sflag:s20], $0x1000  }
0xd8: {  	[sflag:s20] =	ssyncset.done $0x0  }
0xd9: {  	s0 =	rddreg [dreg:$0xa];
	[sflag:s20] =	ssyncadd.s32 $0xFFFFF000  }
0xda: {  	[hbm4b:s0+s2] =	stream.linear.scatter [tilespmem:s14], [sflag:$0x5], $0x1000, $0x38;
	[tilespmem:$0x4800] =	vst v63  }
0xdb: {  	_ =	swait.ge [sflag:s23], $0x1000  }
0xdc: {  	[sflag:s23] =	ssyncset.done $0x0  }
0xdd: {  	s0 =	rddreg [dreg:$0xb];
	[sflag:s23] =	ssyncadd.s32 $0xFFFFF000  }
0xde: {  	[hbm4b:s0+s2] =	stream.linear.scatter [tilespmem:s15], [sflag:$0x6], $0x1000, $0x38;
	[tilespmem:$0x4800] =	vst v63  }
0xdf: {  	_ =	swait.ge [sflag:s26], $0x1000  }
0xe0: {  	[sflag:s26] =	ssyncset.done $0x0  }
0xe1: {  	[sflag:s26] =	ssyncadd.s32 $0xFFFFF000  }
0xe2: {  	[hbm4b:s5+s2] =	stream.linear.scatter [tilespmem:s17], [sflag:$0x7], $0x1000, $0x38;
	[tilespmem:$0x4800] =	vst v63  }
0xe3: {  	_ =	swait.ge [sflag:s30], $0x1000  }
0xe4: {  	[sflag:s30] =	ssyncset.done $0x0  }
0xe5: {  	[sflag:s30] =	ssyncadd.s32 $0xFFFFF000  }
0xe6: {  	[hbm4b:s6+s2] =	stream.linear.scatter [tilespmem:s19], [sflag:$0x8], $0x1000, $0x38;
	[tilespmem:$0x4800] =	vst v63  }
0xe7: {  	_ =	swait.ge [sflag:s21], $0x1000  }
0xe8: {  	[sflag:s21] =	ssyncset.done $0x0  }
0xe9: {  	[sflag:s21] =	ssyncadd.s32 $0xFFFFF000  }
0xea: {  	_ =	swait.ge [sflag:s24], $0x1000  }
0xeb: {  	[sflag:s24] =	ssyncset.done $0x0  }
0xec: {  	[sflag:s24] =	ssyncadd.s32 $0xFFFFF000  }
0xed: {  	p0 =	sne.s32 s7, $0x1;
	_ =	swait.ge [sflag:s28], $0x1000  }
.Ltmp0:
0xee: {  	[sflag:s28] =	ssyncset.done $0x0;
	(pc) =	sbr.rel @p0 .LBB2_1-.Ltmp0, $4  }
0xef: {  	[sflag:s28] =	ssyncadd.s32 $0xFFFFF000  }
0xf0: {  	_ =	swait.ge [sflag:s31], $0x1000  }
0xf1: {  	[sflag:s31] =	ssyncset.done $0x0  }
0xf2: {  	s7 =	sadd.s32 $0xFFFFFFFF, s7;
	[sflag:s31] =	ssyncadd.s32 $0xFFFFF000  }
0xf3: {  	_ =	sfence.sel $0x180000  }
0xf4: {  	[bflag:$0x0] =	sbarrier.arrive $0xFFFF  }
0xf5: {  	_ =	strace $0x90000047  }
0xf6: {  	s0 =	stileid.u32;
	[bflag:$0x2] =	sbarrier.arrive $0xFFFF  }
0xf7: {  	p0 =	sne.s32 s0, $0x0;
	s0 =	rddreg [dreg:$0x2]  }
0xf8: {  	s0 =	sadd.s32 @!p0 $0x100000, s0  }
0xf9: {  	[sflag:s0] =	ssyncadd.tile.s32 @!p0 $0x1;
	_ =	shalt  }
.Lfunc_end2:
_tile_overlayer_lowered:
.L_overlay_start_2:
0xfa: {  	(tag) =	ssettag $0x2  }
0xfb: {  	s0 =	rddreg [dreg:$0x0];
	s2 =	stileid.u32  }
0xfc: {  	s1 =	rddreg [dreg:$0x1];
	p0 =	sne.s32 s2, $0x0  }
0xfd: {  	s3 =	rddreg [dreg:$0x2];
	[bflag:$0x3] =	sbarrier.arrive $0xFFFF;
	s2 =	simm.s32 @!p0 $0x1C09  }
0xfe: {  	[timem:s3], [sflag:s2] =	dma.local @!p0 [hbm:s0], s1  }
0xff: {  	s0 =	simm.s32 @!p0 $0x9  }
0x100: {  	_ =	swait.ge @!p0 [sflag:s0], s1  }
0x101: {  	s1 =	ssub.s32 @!p0 $0x0, s1;
	[sflag:s0] =	ssyncset.done @!p0 $0x0  }
0x102: {  	[sflag:s0] =	ssyncadd.s32 @!p0 s1  }
0x103: {  	[bflag:$0x3] =	sbarrier.arrive $0xFFFF  }
0x104: {  	_ =	shalt  }

</sc_bundles>
